<compile_context>
chip_gen: v7x
topology: tpu7x:2x2x1
jax: 0.10.2.dev20260603
libtpu: 0.0.44.dev20260713+nightly
codegen_flags: <defaults>
</compile_context>

<pallas_src>
import functools
import jax
import jax.numpy as jnp
from jax import lax
from jax.experimental import pallas as pl
from jax.experimental.pallas import tpu as pltpu
from jax.experimental.pallas import tpu_sc as plsc

N = 10000
E = 320000
D = 128
DG = 16
NC, NS = 2, 16
NW = NC * NS
K = 40
CHUNKS = 250
NACC = 10112
ROWS_PER_TILE = NACC // NS


def _sc_aggregate(x, edges, zrows, zdeg):
    mesh = plsc.VectorSubcoreMesh(core_axis_name="c", subcore_axis_name="s")

    @functools.partial(
        pl.kernel,
        out_type=(
            jax.ShapeDtypeStruct((NC, NACC, D), jnp.float32),
            jax.ShapeDtypeStruct((NC, NACC, DG), jnp.float32),
        ),
        mesh=mesh,
        scratch_types=[
            pltpu.VMEM((CHUNKS, K), jnp.int32),
            pltpu.VMEM((CHUNKS, K), jnp.int32),
            pltpu.VMEM((K, D), jnp.float32),
            pltpu.VMEM((K, D), jnp.float32),
            pltpu.VMEM((K, D), jnp.float32),
            pltpu.VMEM((K, DG), jnp.float32),
            pltpu.VMEM_SHARED((NACC, D), jnp.float32),
            pltpu.VMEM_SHARED((NACC, DG), jnp.float32),
            pltpu.SemaphoreType.DMA,
            pltpu.SemaphoreType.DMA,
            pltpu.SemaphoreType.DMA,
            pltpu.SemaphoreType.DMA,
            pltpu.SemaphoreType.DMA,
            pltpu.SemaphoreType.DMA,
            pltpu.SemaphoreType.DMA,
        ],
        compiler_params=pltpu.CompilerParams(use_tc_tiling_on_sc=False),
    )
    def body(x_ref, e_ref, zr_ref, zd_ref, out_ref, deg_ref,
             sidx, didx, rows0, rows1, rows2, ones, acc, dacc,
             gsem0, gsem1, gsem2, ssem0, ssem1, ssem2, xsem):
        c = lax.axis_index("c")
        s = lax.axis_index("s")
        w = s * NC + c

        rows = (rows0, rows1, rows2)
        gsem = (gsem0, gsem1, gsem2)
        ssem = (ssem0, ssem1, ssem2)

        def g_start(i, b):
            pltpu.make_async_copy(x_ref.at[sidx.at[i]], rows[b], gsem[b]).start()

        def g_wait(b):
            pltpu.make_async_copy(x_ref.at[sidx.at[0]], rows[b], gsem[b]).wait()

        def s_start(i, b):
            pltpu.make_async_copy(rows[b], acc.at[didx.at[i]], ssem[b]).start(add=True)
            pltpu.make_async_copy(ones, dacc.at[didx.at[i]], ssem[b]).start(add=True)

        def s_wait(b):
            pltpu.make_async_copy(rows[b], acc.at[didx.at[0]], ssem[b]).wait()
            pltpu.make_async_copy(ones, dacc.at[didx.at[0]], ssem[b]).wait()

        stripe = pl.ds(s * ROWS_PER_TILE, ROWS_PER_TILE)

        with jax.named_scope("stage_zero"):
            pltpu.make_async_copy(e_ref.at[0, w], sidx, xsem).start()
            pltpu.make_async_copy(e_ref.at[1, w], didx, xsem).start()
            pltpu.make_async_copy(zr_ref, acc.at[stripe], ssem0).start()
            pltpu.make_async_copy(zd_ref, dacc.at[stripe], ssem1).start()

            one = jnp.ones((16,), jnp.float32)
            for i in range(K):
                ones[i, :] = one

            pltpu.make_async_copy(e_ref.at[0, w], sidx, xsem).wait()
            pltpu.make_async_copy(e_ref.at[1, w], didx, xsem).wait()

        with jax.named_scope("edges"):
            g_start(0, 0)
            g_start(1, 1)
            pltpu.make_async_copy(zr_ref, acc.at[stripe], ssem0).wait()
            pltpu.make_async_copy(zd_ref, dacc.at[stripe], ssem1).wait()
            plsc.subcore_barrier()

            g_wait(0)
            s_start(0, 0)
            g_start(2, 2)

            def pos(i, b):
                g_wait(b)
                s_wait((b + 2) % 3)
                s_start(i, b)
                g_start(i + 2, (b + 2) % 3)

            def step(t, carry):
                i = 3 * t + 1
                pos(i, 1)
                pos(i + 1, 2)
                pos(i + 2, 0)
                return carry
            lax.fori_loop(0, (CHUNKS - 4) // 3, step, 0)

            g_wait(1)
            s_wait(0)
            s_start(CHUNKS - 3, 1)
            g_start(CHUNKS - 1, 0)
            g_wait(2)
            s_wait(1)
            s_start(CHUNKS - 2, 2)
            g_wait(0)
            s_wait(2)
            s_start(CHUNKS - 1, 0)
            s_wait(0)
            plsc.subcore_barrier()

        with jax.named_scope("dump"):
            pltpu.sync_copy(acc.at[stripe], out_ref.at[c, stripe])
            pltpu.sync_copy(dacc.at[stripe], deg_ref.at[c, stripe])

    return body(x, edges, zrows, zdeg)


R = 1000


def _tc_finish(x, psum, dsum, W_self, W_neigh, bias, gamma, beta):
    def body(x_ref, p_ref, d_ref, ws_ref, wn_ref, b_ref, g_ref, be_ref, o_ref):
        p = p_ref[...]
        agg = p[0] + p[1]
        dg = d_ref[...]
        deg = jnp.maximum(dg[0, :, 0] + dg[1, :, 0], 1.0)
        neigh = agg / deg[:, None]
        xv = x_ref[...]
        dn = (((1,), (1,)), ((), ()))
        out = (lax.dot_general(xv, ws_ref[...], dn, preferred_element_type=jnp.float32)
               + lax.dot_general(neigh, wn_ref[...], dn, preferred_element_type=jnp.float32)
               + b_ref[...])
        out = jnp.maximum(out, 0.0)
        mu = jnp.mean(out, axis=-1, keepdims=True)
        var = jnp.mean((out - mu) ** 2, axis=-1, keepdims=True)
        o_ref[...] = ((out - mu) * lax.rsqrt(var + 1e-5)) * g_ref[...] + be_ref[...]

    return pl.pallas_call(
        body,
        grid=(N // R,),
        in_specs=[
            pl.BlockSpec((R, D), lambda i: (i, 0)),
            pl.BlockSpec((NC, R, D), lambda i: (0, i, 0)),
            pl.BlockSpec((NC, R, DG), lambda i: (0, i, 0)),
            pl.BlockSpec((D, D), lambda i: (0, 0)),
            pl.BlockSpec((D, D), lambda i: (0, 0)),
            pl.BlockSpec((1, D), lambda i: (0, 0)),
            pl.BlockSpec((1, D), lambda i: (0, 0)),
            pl.BlockSpec((1, D), lambda i: (0, 0)),
        ],
        out_specs=pl.BlockSpec((R, D), lambda i: (i, 0)),
        out_shape=jax.ShapeDtypeStruct((N, D), jnp.float32),
    )(x, psum, dsum, W_self, W_neigh, bias, gamma, beta)


def kernel(x, edge_index, W_self, W_neigh, bias, ln_gamma, ln_beta):
    edges = edge_index.astype(jnp.int32).reshape(2, NW, CHUNKS, K)
    zrows = jnp.zeros((ROWS_PER_TILE, D), jnp.float32)
    zdeg = jnp.zeros((ROWS_PER_TILE, DG), jnp.float32)
    psum, dsum = _sc_aggregate(x, edges, zrows, zdeg)
    return _tc_finish(
        x, psum, dsum, W_self, W_neigh,
        bias.reshape(1, D), ln_gamma.reshape(1, D), ln_beta.reshape(1, D),
    )

# --- scband reference (transcript-rebuilt; emitter-appended) ---
"""Pipeline reference for scband-sageconv-12884901888281 (READ-ONLY COPY).

The authoritative reference and input builder live on the scoring server;
editing this copy changes nothing except your own understanding.
"""

import jax, jax.numpy as jnp
import numpy as np
import math

N_NODES = 10000
N_EDGES = 320000
IN_DIM = 128
OUT_DIM = 128


def setup_inputs(seed: int = 0) -> dict:
    key = jax.random.key(seed)
    k1, k2, k3, k4 = jax.random.split(key, 4)
    x = jax.random.normal(k1, (N_NODES, IN_DIM), dtype=jnp.float32)
    edge_index = jax.random.randint(k2, (2, N_EDGES), 0, N_NODES, dtype=jnp.int64)
    # kaiming_uniform with a=sqrt(5): bound = sqrt(6 / ((1+5) * fan_in)) = 1/sqrt(fan_in)
    bound = 1.0 / math.sqrt(IN_DIM)
    W_self = jax.random.uniform(k3, (OUT_DIM, IN_DIM), dtype=jnp.float32, minval=-bound, maxval=bound)
    W_neigh = jax.random.uniform(k4, (OUT_DIM, IN_DIM), dtype=jnp.float32, minval=-bound, maxval=bound)
    bias = jnp.zeros((OUT_DIM,), dtype=jnp.float32)
    ln_gamma = jnp.ones((OUT_DIM,), dtype=jnp.float32)
    ln_beta = jnp.zeros((OUT_DIM,), dtype=jnp.float32)
    return {"x": x, "edge_index": edge_index, "W_self": W_self, "W_neigh": W_neigh,
            "bias": bias, "ln_gamma": ln_gamma, "ln_beta": ln_beta}


def _sparse_mean_aggregate(x, edge_index):
    src = edge_index[0]
    dst = edge_index[1]
    N = x.shape[0]
    # scatter-add of gathered source features onto destination nodes
    agg = jax.ops.segment_sum(x[src], dst, num_segments=N)
    deg = jax.ops.segment_sum(jnp.ones(src.shape[0], dtype=x.dtype), dst, num_segments=N)
    deg = jnp.clip(deg, 1.0, None)
    return agg / deg[:, None]


def reference(x, edge_index, W_self, W_neigh, bias, ln_gamma, ln_beta):
    self_term = x @ W_self.T
    neigh_mean = _sparse_mean_aggregate(x, edge_index)
    neigh_term = neigh_mean @ W_neigh.T
    out = self_term + neigh_term + bias
    out = jax.nn.relu(out)
    # LayerNorm (eps matches torch default 1e-5, biased variance)
    mu = jnp.mean(out, axis=-1, keepdims=True)
    var = jnp.mean((out - mu) ** 2, axis=-1, keepdims=True)
    out = (out - mu) / jnp.sqrt(var + 1e-5)
    return out * ln_gamma + ln_beta

if __name__ == "__main__":
    import jax
    _d = setup_inputs()
    print(jax.jit(kernel)(*tuple(_d.values())))

</pallas_src>

<mosaic_0001>
#map = affine_map<(d0, d1) -> (0, 0)>
#map1 = affine_map<(d0, d1) -> (0, 0, 0, 0)>
#map2 = affine_map<(d0, d1) -> (0, 0, 0)>
module attributes {stable_mosaic.version = 14 : i64} {
  func.func @body(%arg0: i32, %arg1: i32, %arg2: memref<10000x128xf32, #tpu.memory_space<hbm>>, %arg3: memref<2x32x250x40xi32, #tpu.memory_space<hbm>>, %arg4: memref<632x128xf32, #tpu.memory_space<hbm>>, %arg5: memref<632x16xf32, #tpu.memory_space<hbm>>, %arg6: memref<2x10112x128xf32, #tpu.memory_space<hbm>>, %arg7: memref<2x10112x16xf32, #tpu.memory_space<hbm>>, %arg8: memref<250x40xi32, #tpu.memory_space<vmem>>, %arg9: memref<250x40xi32, #tpu.memory_space<vmem>>, %arg10: memref<40x128xf32, #tpu.memory_space<vmem>>, %arg11: memref<40x128xf32, #tpu.memory_space<vmem>>, %arg12: memref<40x128xf32, #tpu.memory_space<vmem>>, %arg13: memref<40x16xf32, #tpu.memory_space<vmem>>, %arg14: memref<10112x128xf32, #tpu.memory_space<vmem_shared>>, %arg15: memref<10112x16xf32, #tpu.memory_space<vmem_shared>>, %arg16: memref<!tpu.dma_semaphore, #tpu.memory_space<semaphore_mem>>, %arg17: memref<!tpu.dma_semaphore, #tpu.memory_space<semaphore_mem>>, %arg18: memref<!tpu.dma_semaphore, #tpu.memory_space<semaphore_mem>>, %arg19: memref<!tpu.dma_semaphore, #tpu.memory_space<semaphore_mem>>, %arg20: memref<!tpu.dma_semaphore, #tpu.memory_space<semaphore_mem>>, %arg21: memref<!tpu.dma_semaphore, #tpu.memory_space<semaphore_mem>>, %arg22: memref<!tpu.dma_semaphore, #tpu.memory_space<semaphore_mem>>) attributes {dimension_semantics = [#tpu.dimension_semantics<core_parallel>, #tpu.dimension_semantics<subcore_parallel>], iteration_bounds = array<i64: 2, 16>, scalar_prefetch = 0 : i64, scratch_operands = 15 : i64, tpu.core_type = #tpu.core_type<sc_vector_subcore>, window_params = [{transform_indices = #map}, {transform_indices = #map1}, {transform_indices = #map}, {transform_indices = #map}, {transform_indices = #map2}, {transform_indices = #map2}]} {
    %mul3A = arith.constant 2 : i32
    %mul3A_0 = arith.muli %arg1, %mul3A : i32
    %add3A = arith.addi %mul3A_0, %arg0 : i32
    %mul3A_1 = arith.constant 632 : i32
    %mul3A_2 = arith.muli %arg1, %mul3A_1 : i32
    %dma_start3A = arith.constant 0 : i32
    "tpu.trace_start"() <{level = 10 : i32, message = "stage_zero"}> : () -> ()
    %dma_start3A_3 = arith.constant 0 : i32
    %dma_start3A_4 = arith.constant 0 : i32
    %dma_start3A_5 = tpu.memref_slice %arg3[%dma_start3A, %add3A, %dma_start3A_3, %dma_start3A_4] : memref<2x32x250x40xi32, #tpu.memory_space<hbm>> -> memref<1x1x250x40xi32, #tpu.memory_space<hbm>>
    %dma_start3A_6 = tpu.memref_squeeze %dma_start3A_5 : memref<1x1x250x40xi32, #tpu.memory_space<hbm>> -> memref<250x40xi32, #tpu.memory_space<hbm>>
    %dma_start3A_7 = arith.constant 0 : i32
    %dma_start3A_8 = arith.constant 0 : i32
    %dma_start3A_9 = tpu.memref_slice %arg3[%dma_start3A, %add3A, %dma_start3A_7, %dma_start3A_8] : memref<2x32x250x40xi32, #tpu.memory_space<hbm>> -> memref<1x1x250x40xi32, #tpu.memory_space<hbm>>
    %dma_start3A_10 = tpu.memref_squeeze %dma_start3A_9 : memref<1x1x250x40xi32, #tpu.memory_space<hbm>> -> memref<250x40xi32, #tpu.memory_space<hbm>>
    tpu.enqueue_dma source(%dma_start3A_10 : memref<250x40xi32, #tpu.memory_space<hbm>>) target(%arg8 : memref<250x40xi32, #tpu.memory_space<vmem>>) target_semaphore(%arg22 : memref<!tpu.dma_semaphore, #tpu.memory_space<semaphore_mem>>)
    %dma_start3A_11 = arith.constant 1 : i32
    %dma_start3A_12 = arith.constant 0 : i32
    %dma_start3A_13 = arith.constant 0 : i32
    %dma_start3A_14 = tpu.memref_slice %arg3[%dma_start3A_11, %add3A, %dma_start3A_12, %dma_start3A_13] : memref<2x32x250x40xi32, #tpu.memory_space<hbm>> -> memref<1x1x250x40xi32, #tpu.memory_space<hbm>>
    %dma_start3A_15 = tpu.memref_squeeze %dma_start3A_14 : memref<1x1x250x40xi32, #tpu.memory_space<hbm>> -> memref<250x40xi32, #tpu.memory_space<hbm>>
    %dma_start3A_16 = arith.constant 0 : i32
    %dma_start3A_17 = arith.constant 0 : i32
    %dma_start3A_18 = tpu.memref_slice %arg3[%dma_start3A_11, %add3A, %dma_start3A_16, %dma_start3A_17] : memref<2x32x250x40xi32, #tpu.memory_space<hbm>> -> memref<1x1x250x40xi32, #tpu.memory_space<hbm>>
    %dma_start3A_19 = tpu.memref_squeeze %dma_start3A_18 : memref<1x1x250x40xi32, #tpu.memory_space<hbm>> -> memref<250x40xi32, #tpu.memory_space<hbm>>
    tpu.enqueue_dma source(%dma_start3A_19 : memref<250x40xi32, #tpu.memory_space<hbm>>) target(%arg9 : memref<250x40xi32, #tpu.memory_space<vmem>>) target_semaphore(%arg22 : memref<!tpu.dma_semaphore, #tpu.memory_space<semaphore_mem>>)
    %dma_start3A_20 = arith.constant 0 : i32
    %dma_start3A_21 = tpu.memref_slice %arg14[%mul3A_2, %dma_start3A_20] : memref<10112x128xf32, #tpu.memory_space<vmem_shared>> -> memref<632x128xf32, #tpu.memory_space<vmem_shared>>
    tpu.enqueue_dma source(%arg4 : memref<632x128xf32, #tpu.memory_space<hbm>>) target(%dma_start3A_21 : memref<632x128xf32, #tpu.memory_space<vmem_shared>>) target_semaphore(%arg19 : memref<!tpu.dma_semaphore, #tpu.memory_space<semaphore_mem>>)
    %dma_start3A_22 = arith.constant 0 : i32
    %dma_start3A_23 = tpu.memref_slice %arg15[%mul3A_2, %dma_start3A_22] : memref<10112x16xf32, #tpu.memory_space<vmem_shared>> -> memref<632x16xf32, #tpu.memory_space<vmem_shared>>
    tpu.enqueue_dma source(%arg5 : memref<632x16xf32, #tpu.memory_space<hbm>>) target(%dma_start3A_23 : memref<632x16xf32, #tpu.memory_space<vmem_shared>>) target_semaphore(%arg20 : memref<!tpu.dma_semaphore, #tpu.memory_space<semaphore_mem>>)
    %broadcast_in_dim3A = arith.constant 1.000000e+00 : f32
    %broadcast_in_dim3A_24 = vector.broadcast %broadcast_in_dim3A : f32 to vector<16xf32>
    %swap3A = arith.constant 0 : i32
    %swap3A_25 = arith.index_cast %swap3A : i32 to index
    %swap3A_26 = arith.constant 0 : index
    %swap3A_27 = tpu.vector_load %arg13[%swap3A_25, %swap3A_26] {strides = array<i32>} : memref<40x16xf32, #tpu.memory_space<vmem>>, vector<1x16xf32>,
    %swap3A_28 = vector.shape_cast %swap3A_27 : vector<1x16xf32> to vector<16xf32>
    %swap3A_29 = vector.shape_cast %broadcast_in_dim3A_24 : vector<16xf32> to vector<1x16xf32>
    tpu.vector_store %arg13[%swap3A_25, %swap3A_26], %swap3A_29 {strides = array<i32>} : memref<40x16xf32, #tpu.memory_space<vmem>>, vector<1x16xf32>,
    %swap3A_30 = arith.constant 1 : i32
    %swap3A_31 = arith.index_cast %swap3A_30 : i32 to index
    %swap3A_32 = arith.constant 0 : index
    %swap3A_33 = tpu.vector_load %arg13[%swap3A_31, %swap3A_32] {strides = array<i32>} : memref<40x16xf32, #tpu.memory_space<vmem>>, vector<1x16xf32>,
    %swap3A_34 = vector.shape_cast %swap3A_33 : vector<1x16xf32> to vector<16xf32>
    %swap3A_35 = vector.shape_cast %broadcast_in_dim3A_24 : vector<16xf32> to vector<1x16xf32>
    tpu.vector_store %arg13[%swap3A_31, %swap3A_32], %swap3A_35 {strides = array<i32>} : memref<40x16xf32, #tpu.memory_space<vmem>>, vector<1x16xf32>,
    %swap3A_36 = arith.constant 2 : i32
    %swap3A_37 = arith.index_cast %swap3A_36 : i32 to index
    %swap3A_38 = arith.constant 0 : index
    %swap3A_39 = tpu.vector_load %arg13[%swap3A_37, %swap3A_38] {strides = array<i32>} : memref<40x16xf32, #tpu.memory_space<vmem>>, vector<1x16xf32>,
    %swap3A_40 = vector.shape_cast %swap3A_39 : vector<1x16xf32> to vector<16xf32>
    %swap3A_41 = vector.shape_cast %broadcast_in_dim3A_24 : vector<16xf32> to vector<1x16xf32>
    tpu.vector_store %arg13[%swap3A_37, %swap3A_38], %swap3A_41 {strides = array<i32>} : memref<40x16xf32, #tpu.memory_space<vmem>>, vector<1x16xf32>,
    %swap3A_42 = arith.constant 3 : i32
    %swap3A_43 = arith.index_cast %swap3A_42 : i32 to index
    %swap3A_44 = arith.constant 0 : index
    %swap3A_45 = tpu.vector_load %arg13[%swap3A_43, %swap3A_44] {strides = array<i32>} : memref<40x16xf32, #tpu.memory_space<vmem>>, vector<1x16xf32>,
    %swap3A_46 = vector.shape_cast %swap3A_45 : vector<1x16xf32> to vector<16xf32>
    %swap3A_47 = vector.shape_cast %broadcast_in_dim3A_24 : vector<16xf32> to vector<1x16xf32>
    tpu.vector_store %arg13[%swap3A_43, %swap3A_44], %swap3A_47 {strides = array<i32>} : memref<40x16xf32, #tpu.memory_space<vmem>>, vector<1x16xf32>,
    %swap3A_48 = arith.constant 4 : i32
    %swap3A_49 = arith.index_cast %swap3A_48 : i32 to index
    %swap3A_50 = arith.constant 0 : index
    %swap3A_51 = tpu.vector_load %arg13[%swap3A_49, %swap3A_50] {strides = array<i32>} : memref<40x16xf32, #tpu.memory_space<vmem>>, vector<1x16xf32>,
    %swap3A_52 = vector.shape_cast %swap3A_51 : vector<1x16xf32> to vector<16xf32>
    %swap3A_53 = vector.shape_cast %broadcast_in_dim3A_24 : vector<16xf32> to vector<1x16xf32>
    tpu.vector_store %arg13[%swap3A_49, %swap3A_50], %swap3A_53 {strides = array<i32>} : memref<40x16xf32, #tpu.memory_space<vmem>>, vector<1x16xf32>,
    %swap3A_54 = arith.constant 5 : i32
    %swap3A_55 = arith.index_cast %swap3A_54 : i32 to index
    %swap3A_56 = arith.constant 0 : index
    %swap3A_57 = tpu.vector_load %arg13[%swap3A_55, %swap3A_56] {strides = array<i32>} : memref<40x16xf32, #tpu.memory_space<vmem>>, vector<1x16xf32>,
    %swap3A_58 = vector.shape_cast %swap3A_57 : vector<1x16xf32> to vector<16xf32>
    %swap3A_59 = vector.shape_cast %broadcast_in_dim3A_24 : vector<16xf32> to vector<1x16xf32>
    tpu.vector_store %arg13[%swap3A_55, %swap3A_56], %swap3A_59 {strides = array<i32>} : memref<40x16xf32, #tpu.memory_space<vmem>>, vector<1x16xf32>,
    %swap3A_60 = arith.constant 6 : i32
    %swap3A_61 = arith.index_cast %swap3A_60 : i32 to index
    %swap3A_62 = arith.constant 0 : index
    %swap3A_63 = tpu.vector_load %arg13[%swap3A_61, %swap3A_62] {strides = array<i32>} : memref<40x16xf32, #tpu.memory_space<vmem>>, vector<1x16xf32>,
    %swap3A_64 = vector.shape_cast %swap3A_63 : vector<1x16xf32> to vector<16xf32>
    %swap3A_65 = vector.shape_cast %broadcast_in_dim3A_24 : vector<16xf32> to vector<1x16xf32>
    tpu.vector_store %arg13[%swap3A_61, %swap3A_62], %swap3A_65 {strides = array<i32>} : memref<40x16xf32, #tpu.memory_space<vmem>>, vector<1x16xf32>,
    %swap3A_66 = arith.constant 7 : i32
    %swap3A_67 = arith.index_cast %swap3A_66 : i32 to index
    %swap3A_68 = arith.constant 0 : index
    %swap3A_69 = tpu.vector_load %arg13[%swap3A_67, %swap3A_68] {strides = array<i32>} : memref<40x16xf32, #tpu.memory_space<vmem>>, vector<1x16xf32>,
    %swap3A_70 = vector.shape_cast %swap3A_69 : vector<1x16xf32> to vector<16xf32>
    %swap3A_71 = vector.shape_cast %broadcast_in_dim3A_24 : vector<16xf32> to vector<1x16xf32>
    tpu.vector_store %arg13[%swap3A_67, %swap3A_68], %swap3A_71 {strides = array<i32>} : memref<40x16xf32, #tpu.memory_space<vmem>>, vector<1x16xf32>,
    %swap3A_72 = arith.constant 8 : i32
    %swap3A_73 = arith.index_cast %swap3A_72 : i32 to index
    %swap3A_74 = arith.constant 0 : index
    %swap3A_75 = tpu.vector_load %arg13[%swap3A_73, %swap3A_74] {strides = array<i32>} : memref<40x16xf32, #tpu.memory_space<vmem>>, vector<1x16xf32>,
    %swap3A_76 = vector.shape_cast %swap3A_75 : vector<1x16xf32> to vector<16xf32>
    %swap3A_77 = vector.shape_cast %broadcast_in_dim3A_24 : vector<16xf32> to vector<1x16xf32>
    tpu.vector_store %arg13[%swap3A_73, %swap3A_74], %swap3A_77 {strides = array<i32>} : memref<40x16xf32, #tpu.memory_space<vmem>>, vector<1x16xf32>,
    %swap3A_78 = arith.constant 9 : i32
    %swap3A_79 = arith.index_cast %swap3A_78 : i32 to index
    %swap3A_80 = arith.constant 0 : index
    %swap3A_81 = tpu.vector_load %arg13[%swap3A_79, %swap3A_80] {strides = array<i32>} : memref<40x16xf32, #tpu.memory_space<vmem>>, vector<1x16xf32>,
    %swap3A_82 = vector.shape_cast %swap3A_81 : vector<1x16xf32> to vector<16xf32>
    %swap3A_83 = vector.shape_cast %broadcast_in_dim3A_24 : vector<16xf32> to vector<1x16xf32>
    tpu.vector_store %arg13[%swap3A_79, %swap3A_80], %swap3A_83 {strides = array<i32>} : memref<40x16xf32, #tpu.memory_space<vmem>>, vector<1x16xf32>,
    %swap3A_84 = arith.constant 10 : i32
    %swap3A_85 = arith.index_cast %swap3A_84 : i32 to index
    %swap3A_86 = arith.constant 0 : index
    %swap3A_87 = tpu.vector_load %arg13[%swap3A_85, %swap3A_86] {strides = array<i32>} : memref<40x16xf32, #tpu.memory_space<vmem>>, vector<1x16xf32>,
    %swap3A_88 = vector.shape_cast %swap3A_87 : vector<1x16xf32> to vector<16xf32>
    %swap3A_89 = vector.shape_cast %broadcast_in_dim3A_24 : vector<16xf32> to vector<1x16xf32>
    tpu.vector_store %arg13[%swap3A_85, %swap3A_86], %swap3A_89 {strides = array<i32>} : memref<40x16xf32, #tpu.memory_space<vmem>>, vector<1x16xf32>,
    %swap3A_90 = arith.constant 11 : i32
    %swap3A_91 = arith.index_cast %swap3A_90 : i32 to index
    %swap3A_92 = arith.constant 0 : index
    %swap3A_93 = tpu.vector_load %arg13[%swap3A_91, %swap3A_92] {strides = array<i32>} : memref<40x16xf32, #tpu.memory_space<vmem>>, vector<1x16xf32>,
    %swap3A_94 = vector.shape_cast %swap3A_93 : vector<1x16xf32> to vector<16xf32>
    %swap3A_95 = vector.shape_cast %broadcast_in_dim3A_24 : vector<16xf32> to vector<1x16xf32>
    tpu.vector_store %arg13[%swap3A_91, %swap3A_92], %swap3A_95 {strides = array<i32>} : memref<40x16xf32, #tpu.memory_space<vmem>>, vector<1x16xf32>,
    %swap3A_96 = arith.constant 12 : i32
    %swap3A_97 = arith.index_cast %swap3A_96 : i32 to index
    %swap3A_98 = arith.constant 0 : index
    %swap3A_99 = tpu.vector_load %arg13[%swap3A_97, %swap3A_98] {strides = array<i32>} : memref<40x16xf32, #tpu.memory_space<vmem>>, vector<1x16xf32>,
    %swap3A_100 = vector.shape_cast %swap3A_99 : vector<1x16xf32> to vector<16xf32>
    %swap3A_101 = vector.shape_cast %broadcast_in_dim3A_24 : vector<16xf32> to vector<1x16xf32>
    tpu.vector_store %arg13[%swap3A_97, %swap3A_98], %swap3A_101 {strides = array<i32>} : memref<40x16xf32, #tpu.memory_space<vmem>>, vector<1x16xf32>,
    %swap3A_102 = arith.constant 13 : i32
    %swap3A_103 = arith.index_cast %swap3A_102 : i32 to index
    %swap3A_104 = arith.constant 0 : index
    %swap3A_105 = tpu.vector_load %arg13[%swap3A_103, %swap3A_104] {strides = array<i32>} : memref<40x16xf32, #tpu.memory_space<vmem>>, vector<1x16xf32>,
    %swap3A_106 = vector.shape_cast %swap3A_105 : vector<1x16xf32> to vector<16xf32>
    %swap3A_107 = vector.shape_cast %broadcast_in_dim3A_24 : vector<16xf32> to vector<1x16xf32>
    tpu.vector_store %arg13[%swap3A_103, %swap3A_104], %swap3A_107 {strides = array<i32>} : memref<40x16xf32, #tpu.memory_space<vmem>>, vector<1x16xf32>,
    %swap3A_108 = arith.constant 14 : i32
    %swap3A_109 = arith.index_cast %swap3A_108 : i32 to index
    %swap3A_110 = arith.constant 0 : index
    %swap3A_111 = tpu.vector_load %arg13[%swap3A_109, %swap3A_110] {strides = array<i32>} : memref<40x16xf32, #tpu.memory_space<vmem>>, vector<1x16xf32>,
    %swap3A_112 = vector.shape_cast %swap3A_111 : vector<1x16xf32> to vector<16xf32>
    %swap3A_113 = vector.shape_cast %broadcast_in_dim3A_24 : vector<16xf32> to vector<1x16xf32>
    tpu.vector_store %arg13[%swap3A_109, %swap3A_110], %swap3A_113 {strides = array<i32>} : memref<40x16xf32, #tpu.memory_space<vmem>>, vector<1x16xf32>,
    %swap3A_114 = arith.constant 15 : i32
    %swap3A_115 = arith.index_cast %swap3A_114 : i32 to index
    %swap3A_116 = arith.constant 0 : index
    %swap3A_117 = tpu.vector_load %arg13[%swap3A_115, %swap3A_116] {strides = array<i32>} : memref<40x16xf32, #tpu.memory_space<vmem>>, vector<1x16xf32>,
    %swap3A_118 = vector.shape_cast %swap3A_117 : vector<1x16xf32> to vector<16xf32>
    %swap3A_119 = vector.shape_cast %broadcast_in_dim3A_24 : vector<16xf32> to vector<1x16xf32>
    tpu.vector_store %arg13[%swap3A_115, %swap3A_116], %swap3A_119 {strides = array<i32>} : memref<40x16xf32, #tpu.memory_space<vmem>>, vector<1x16xf32>,
    %swap3A_120 = arith.constant 16 : i32
    %swap3A_121 = arith.index_cast %swap3A_120 : i32 to index
    %swap3A_122 = arith.constant 0 : index
    %swap3A_123 = tpu.vector_load %arg13[%swap3A_121, %swap3A_122] {strides = array<i32>} : memref<40x16xf32, #tpu.memory_space<vmem>>, vector<1x16xf32>,
    %swap3A_124 = vector.shape_cast %swap3A_123 : vector<1x16xf32> to vector<16xf32>
    %swap3A_125 = vector.shape_cast %broadcast_in_dim3A_24 : vector<16xf32> to vector<1x16xf32>
    tpu.vector_store %arg13[%swap3A_121, %swap3A_122], %swap3A_125 {strides = array<i32>} : memref<40x16xf32, #tpu.memory_space<vmem>>, vector<1x16xf32>,
    %swap3A_126 = arith.constant 17 : i32
    %swap3A_127 = arith.index_cast %swap3A_126 : i32 to index
    %swap3A_128 = arith.constant 0 : index
    %swap3A_129 = tpu.vector_load %arg13[%swap3A_127, %swap3A_128] {strides = array<i32>} : memref<40x16xf32, #tpu.memory_space<vmem>>, vector<1x16xf32>,
    %swap3A_130 = vector.shape_cast %swap3A_129 : vector<1x16xf32> to vector<16xf32>
    %swap3A_131 = vector.shape_cast %broadcast_in_dim3A_24 : vector<16xf32> to vector<1x16xf32>
    tpu.vector_store %arg13[%swap3A_127, %swap3A_128], %swap3A_131 {strides = array<i32>} : memref<40x16xf32, #tpu.memory_space<vmem>>, vector<1x16xf32>,
    %swap3A_132 = arith.constant 18 : i32
    %swap3A_133 = arith.index_cast %swap3A_132 : i32 to index
    %swap3A_134 = arith.constant 0 : index
    %swap3A_135 = tpu.vector_load %arg13[%swap3A_133, %swap3A_134] {strides = array<i32>} : memref<40x16xf32, #tpu.memory_space<vmem>>, vector<1x16xf32>,
    %swap3A_136 = vector.shape_cast %swap3A_135 : vector<1x16xf32> to vector<16xf32>
    %swap3A_137 = vector.shape_cast %broadcast_in_dim3A_24 : vector<16xf32> to vector<1x16xf32>
    tpu.vector_store %arg13[%swap3A_133, %swap3A_134], %swap3A_137 {strides = array<i32>} : memref<40x16xf32, #tpu.memory_space<vmem>>, vector<1x16xf32>,
    %swap3A_138 = arith.constant 19 : i32
    %swap3A_139 = arith.index_cast %swap3A_138 : i32 to index
    %swap3A_140 = arith.constant 0 : index
    %swap3A_141 = tpu.vector_load %arg13[%swap3A_139, %swap3A_140] {strides = array<i32>} : memref<40x16xf32, #tpu.memory_space<vmem>>, vector<1x16xf32>,
    %swap3A_142 = vector.shape_cast %swap3A_141 : vector<1x16xf32> to vector<16xf32>
    %swap3A_143 = vector.shape_cast %broadcast_in_dim3A_24 : vector<16xf32> to vector<1x16xf32>
    tpu.vector_store %arg13[%swap3A_139, %swap3A_140], %swap3A_143 {strides = array<i32>} : memref<40x16xf32, #tpu.memory_space<vmem>>, vector<1x16xf32>,
    %swap3A_144 = arith.constant 20 : i32
    %swap3A_145 = arith.index_cast %swap3A_144 : i32 to index
    %swap3A_146 = arith.constant 0 : index
    %swap3A_147 = tpu.vector_load %arg13[%swap3A_145, %swap3A_146] {strides = array<i32>} : memref<40x16xf32, #tpu.memory_space<vmem>>, vector<1x16xf32>,
    %swap3A_148 = vector.shape_cast %swap3A_147 : vector<1x16xf32> to vector<16xf32>
    %swap3A_149 = vector.shape_cast %broadcast_in_dim3A_24 : vector<16xf32> to vector<1x16xf32>
    tpu.vector_store %arg13[%swap3A_145, %swap3A_146], %swap3A_149 {strides = array<i32>} : memref<40x16xf32, #tpu.memory_space<vmem>>, vector<1x16xf32>,
    %swap3A_150 = arith.constant 21 : i32
    %swap3A_151 = arith.index_cast %swap3A_150 : i32 to index
    %swap3A_152 = arith.constant 0 : index
    %swap3A_153 = tpu.vector_load %arg13[%swap3A_151, %swap3A_152] {strides = array<i32>} : memref<40x16xf32, #tpu.memory_space<vmem>>, vector<1x16xf32>,
    %swap3A_154 = vector.shape_cast %swap3A_153 : vector<1x16xf32> to vector<16xf32>
    %swap3A_155 = vector.shape_cast %broadcast_in_dim3A_24 : vector<16xf32> to vector<1x16xf32>
    tpu.vector_store %arg13[%swap3A_151, %swap3A_152], %swap3A_155 {strides = array<i32>} : memref<40x16xf32, #tpu.memory_space<vmem>>, vector<1x16xf32>,
    %swap3A_156 = arith.constant 22 : i32
    %swap3A_157 = arith.index_cast %swap3A_156 : i32 to index
    %swap3A_158 = arith.constant 0 : index
    %swap3A_159 = tpu.vector_load %arg13[%swap3A_157, %swap3A_158] {strides = array<i32>} : memref<40x16xf32, #tpu.memory_space<vmem>>, vector<1x16xf32>,
    %swap3A_160 = vector.shape_cast %swap3A_159 : vector<1x16xf32> to vector<16xf32>
    %swap3A_161 = vector.shape_cast %broadcast_in_dim3A_24 : vector<16xf32> to vector<1x16xf32>
    tpu.vector_store %arg13[%swap3A_157, %swap3A_158], %swap3A_161 {strides = array<i32>} : memref<40x16xf32, #tpu.memory_space<vmem>>, vector<1x16xf32>,
    %swap3A_162 = arith.constant 23 : i32
    %swap3A_163 = arith.index_cast %swap3A_162 : i32 to index
    %swap3A_164 = arith.constant 0 : index
    %swap3A_165 = tpu.vector_load %arg13[%swap3A_163, %swap3A_164] {strides = array<i32>} : memref<40x16xf32, #tpu.memory_space<vmem>>, vector<1x16xf32>,
    %swap3A_166 = vector.shape_cast %swap3A_165 : vector<1x16xf32> to vector<16xf32>
    %swap3A_167 = vector.shape_cast %broadcast_in_dim3A_24 : vector<16xf32> to vector<1x16xf32>
    tpu.vector_store %arg13[%swap3A_163, %swap3A_164], %swap3A_167 {strides = array<i32>} : memref<40x16xf32, #tpu.memory_space<vmem>>, vector<1x16xf32>,
    %swap3A_168 = arith.constant 24 : i32
    %swap3A_169 = arith.index_cast %swap3A_168 : i32 to index
    %swap3A_170 = arith.constant 0 : index
    %swap3A_171 = tpu.vector_load %arg13[%swap3A_169, %swap3A_170] {strides = array<i32>} : memref<40x16xf32, #tpu.memory_space<vmem>>, vector<1x16xf32>,
    %swap3A_172 = vector.shape_cast %swap3A_171 : vector<1x16xf32> to vector<16xf32>
    %swap3A_173 = vector.shape_cast %broadcast_in_dim3A_24 : vector<16xf32> to vector<1x16xf32>
    tpu.vector_store %arg13[%swap3A_169, %swap3A_170], %swap3A_173 {strides = array<i32>} : memref<40x16xf32, #tpu.memory_space<vmem>>, vector<1x16xf32>,
    %swap3A_174 = arith.constant 25 : i32
    %swap3A_175 = arith.index_cast %swap3A_174 : i32 to index
    %swap3A_176 = arith.constant 0 : index
    %swap3A_177 = tpu.vector_load %arg13[%swap3A_175, %swap3A_176] {strides = array<i32>} : memref<40x16xf32, #tpu.memory_space<vmem>>, vector<1x16xf32>,
    %swap3A_178 = vector.shape_cast %swap3A_177 : vector<1x16xf32> to vector<16xf32>
    %swap3A_179 = vector.shape_cast %broadcast_in_dim3A_24 : vector<16xf32> to vector<1x16xf32>
    tpu.vector_store %arg13[%swap3A_175, %swap3A_176], %swap3A_179 {strides = array<i32>} : memref<40x16xf32, #tpu.memory_space<vmem>>, vector<1x16xf32>,
    %swap3A_180 = arith.constant 26 : i32
    %swap3A_181 = arith.index_cast %swap3A_180 : i32 to index
    %swap3A_182 = arith.constant 0 : index
    %swap3A_183 = tpu.vector_load %arg13[%swap3A_181, %swap3A_182] {strides = array<i32>} : memref<40x16xf32, #tpu.memory_space<vmem>>, vector<1x16xf32>,
    %swap3A_184 = vector.shape_cast %swap3A_183 : vector<1x16xf32> to vector<16xf32>
    %swap3A_185 = vector.shape_cast %broadcast_in_dim3A_24 : vector<16xf32> to vector<1x16xf32>
    tpu.vector_store %arg13[%swap3A_181, %swap3A_182], %swap3A_185 {strides = array<i32>} : memref<40x16xf32, #tpu.memory_space<vmem>>, vector<1x16xf32>,
    %swap3A_186 = arith.constant 27 : i32
    %swap3A_187 = arith.index_cast %swap3A_186 : i32 to index
    %swap3A_188 = arith.constant 0 : index
    %swap3A_189 = tpu.vector_load %arg13[%swap3A_187, %swap3A_188] {strides = array<i32>} : memref<40x16xf32, #tpu.memory_space<vmem>>, vector<1x16xf32>,
    %swap3A_190 = vector.shape_cast %swap3A_189 : vector<1x16xf32> to vector<16xf32>
    %swap3A_191 = vector.shape_cast %broadcast_in_dim3A_24 : vector<16xf32> to vector<1x16xf32>
    tpu.vector_store %arg13[%swap3A_187, %swap3A_188], %swap3A_191 {strides = array<i32>} : memref<40x16xf32, #tpu.memory_space<vmem>>, vector<1x16xf32>,
    %swap3A_192 = arith.constant 28 : i32
    %swap3A_193 = arith.index_cast %swap3A_192 : i32 to index
    %swap3A_194 = arith.constant 0 : index
    %swap3A_195 = tpu.vector_load %arg13[%swap3A_193, %swap3A_194] {strides = array<i32>} : memref<40x16xf32, #tpu.memory_space<vmem>>, vector<1x16xf32>,
    %swap3A_196 = vector.shape_cast %swap3A_195 : vector<1x16xf32> to vector<16xf32>
    %swap3A_197 = vector.shape_cast %broadcast_in_dim3A_24 : vector<16xf32> to vector<1x16xf32>
    tpu.vector_store %arg13[%swap3A_193, %swap3A_194], %swap3A_197 {strides = array<i32>} : memref<40x16xf32, #tpu.memory_space<vmem>>, vector<1x16xf32>,
    %swap3A_198 = arith.constant 29 : i32
    %swap3A_199 = arith.index_cast %swap3A_198 : i32 to index
    %swap3A_200 = arith.constant 0 : index
    %swap3A_201 = tpu.vector_load %arg13[%swap3A_199, %swap3A_200] {strides = array<i32>} : memref<40x16xf32, #tpu.memory_space<vmem>>, vector<1x16xf32>,
    %swap3A_202 = vector.shape_cast %swap3A_201 : vector<1x16xf32> to vector<16xf32>
    %swap3A_203 = vector.shape_cast %broadcast_in_dim3A_24 : vector<16xf32> to vector<1x16xf32>
    tpu.vector_store %arg13[%swap3A_199, %swap3A_200], %swap3A_203 {strides = array<i32>} : memref<40x16xf32, #tpu.memory_space<vmem>>, vector<1x16xf32>,
    %swap3A_204 = arith.constant 30 : i32
    %swap3A_205 = arith.index_cast %swap3A_204 : i32 to index
    %swap3A_206 = arith.constant 0 : index
    %swap3A_207 = tpu.vector_load %arg13[%swap3A_205, %swap3A_206] {strides = array<i32>} : memref<40x16xf32, #tpu.memory_space<vmem>>, vector<1x16xf32>,
    %swap3A_208 = vector.shape_cast %swap3A_207 : vector<1x16xf32> to vector<16xf32>
    %swap3A_209 = vector.shape_cast %broadcast_in_dim3A_24 : vector<16xf32> to vector<1x16xf32>
    tpu.vector_store %arg13[%swap3A_205, %swap3A_206], %swap3A_209 {strides = array<i32>} : memref<40x16xf32, #tpu.memory_space<vmem>>, vector<1x16xf32>,
    %swap3A_210 = arith.constant 31 : i32
    %swap3A_211 = arith.index_cast %swap3A_210 : i32 to index
    %swap3A_212 = arith.constant 0 : index
    %swap3A_213 = tpu.vector_load %arg13[%swap3A_211, %swap3A_212] {strides = array<i32>} : memref<40x16xf32, #tpu.memory_space<vmem>>, vector<1x16xf32>,
    %swap3A_214 = vector.shape_cast %swap3A_213 : vector<1x16xf32> to vector<16xf32>
    %swap3A_215 = vector.shape_cast %broadcast_in_dim3A_24 : vector<16xf32> to vector<1x16xf32>
    tpu.vector_store %arg13[%swap3A_211, %swap3A_212], %swap3A_215 {strides = array<i32>} : memref<40x16xf32, #tpu.memory_space<vmem>>, vector<1x16xf32>,
    %swap3A_216 = arith.constant 32 : i32
    %swap3A_217 = arith.index_cast %swap3A_216 : i32 to index
    %swap3A_218 = arith.constant 0 : index
    %swap3A_219 = tpu.vector_load %arg13[%swap3A_217, %swap3A_218] {strides = array<i32>} : memref<40x16xf32, #tpu.memory_space<vmem>>, vector<1x16xf32>,
    %swap3A_220 = vector.shape_cast %swap3A_219 : vector<1x16xf32> to vector<16xf32>
    %swap3A_221 = vector.shape_cast %broadcast_in_dim3A_24 : vector<16xf32> to vector<1x16xf32>
    tpu.vector_store %arg13[%swap3A_217, %swap3A_218], %swap3A_221 {strides = array<i32>} : memref<40x16xf32, #tpu.memory_space<vmem>>, vector<1x16xf32>,
    %swap3A_222 = arith.constant 33 : i32
    %swap3A_223 = arith.index_cast %swap3A_222 : i32 to index
    %swap3A_224 = arith.constant 0 : index
    %swap3A_225 = tpu.vector_load %arg13[%swap3A_223, %swap3A_224] {strides = array<i32>} : memref<40x16xf32, #tpu.memory_space<vmem>>, vector<1x16xf32>,
    %swap3A_226 = vector.shape_cast %swap3A_225 : vector<1x16xf32> to vector<16xf32>
    %swap3A_227 = vector.shape_cast %broadcast_in_dim3A_24 : vector<16xf32> to vector<1x16xf32>
    tpu.vector_store %arg13[%swap3A_223, %swap3A_224], %swap3A_227 {strides = array<i32>} : memref<40x16xf32, #tpu.memory_space<vmem>>, vector<1x16xf32>,
    %swap3A_228 = arith.constant 34 : i32
    %swap3A_229 = arith.index_cast %swap3A_228 : i32 to index
    %swap3A_230 = arith.constant 0 : index
    %swap3A_231 = tpu.vector_load %arg13[%swap3A_229, %swap3A_230] {strides = array<i32>} : memref<40x16xf32, #tpu.memory_space<vmem>>, vector<1x16xf32>,
    %swap3A_232 = vector.shape_cast %swap3A_231 : vector<1x16xf32> to vector<16xf32>
    %swap3A_233 = vector.shape_cast %broadcast_in_dim3A_24 : vector<16xf32> to vector<1x16xf32>
    tpu.vector_store %arg13[%swap3A_229, %swap3A_230], %swap3A_233 {strides = array<i32>} : memref<40x16xf32, #tpu.memory_space<vmem>>, vector<1x16xf32>,
    %swap3A_234 = arith.constant 35 : i32
    %swap3A_235 = arith.index_cast %swap3A_234 : i32 to index
    %swap3A_236 = arith.constant 0 : index
    %swap3A_237 = tpu.vector_load %arg13[%swap3A_235, %swap3A_236] {strides = array<i32>} : memref<40x16xf32, #tpu.memory_space<vmem>>, vector<1x16xf32>,
    %swap3A_238 = vector.shape_cast %swap3A_237 : vector<1x16xf32> to vector<16xf32>
    %swap3A_239 = vector.shape_cast %broadcast_in_dim3A_24 : vector<16xf32> to vector<1x16xf32>
    tpu.vector_store %arg13[%swap3A_235, %swap3A_236], %swap3A_239 {strides = array<i32>} : memref<40x16xf32, #tpu.memory_space<vmem>>, vector<1x16xf32>,
    %swap3A_240 = arith.constant 36 : i32
    %swap3A_241 = arith.index_cast %swap3A_240 : i32 to index
    %swap3A_242 = arith.constant 0 : index
    %swap3A_243 = tpu.vector_load %arg13[%swap3A_241, %swap3A_242] {strides = array<i32>} : memref<40x16xf32, #tpu.memory_space<vmem>>, vector<1x16xf32>,
    %swap3A_244 = vector.shape_cast %swap3A_243 : vector<1x16xf32> to vector<16xf32>
    %swap3A_245 = vector.shape_cast %broadcast_in_dim3A_24 : vector<16xf32> to vector<1x16xf32>
    tpu.vector_store %arg13[%swap3A_241, %swap3A_242], %swap3A_245 {strides = array<i32>} : memref<40x16xf32, #tpu.memory_space<vmem>>, vector<1x16xf32>,
    %swap3A_246 = arith.constant 37 : i32
    %swap3A_247 = arith.index_cast %swap3A_246 : i32 to index
    %swap3A_248 = arith.constant 0 : index
    %swap3A_249 = tpu.vector_load %arg13[%swap3A_247, %swap3A_248] {strides = array<i32>} : memref<40x16xf32, #tpu.memory_space<vmem>>, vector<1x16xf32>,
    %swap3A_250 = vector.shape_cast %swap3A_249 : vector<1x16xf32> to vector<16xf32>
    %swap3A_251 = vector.shape_cast %broadcast_in_dim3A_24 : vector<16xf32> to vector<1x16xf32>
    tpu.vector_store %arg13[%swap3A_247, %swap3A_248], %swap3A_251 {strides = array<i32>} : memref<40x16xf32, #tpu.memory_space<vmem>>, vector<1x16xf32>,
    %swap3A_252 = arith.constant 38 : i32
    %swap3A_253 = arith.index_cast %swap3A_252 : i32 to index
    %swap3A_254 = arith.constant 0 : index
    %swap3A_255 = tpu.vector_load %arg13[%swap3A_253, %swap3A_254] {strides = array<i32>} : memref<40x16xf32, #tpu.memory_space<vmem>>, vector<1x16xf32>,
    %swap3A_256 = vector.shape_cast %swap3A_255 : vector<1x16xf32> to vector<16xf32>
    %swap3A_257 = vector.shape_cast %broadcast_in_dim3A_24 : vector<16xf32> to vector<1x16xf32>
    tpu.vector_store %arg13[%swap3A_253, %swap3A_254], %swap3A_257 {strides = array<i32>} : memref<40x16xf32, #tpu.memory_space<vmem>>, vector<1x16xf32>,
    %swap3A_258 = arith.constant 39 : i32
    %swap3A_259 = arith.index_cast %swap3A_258 : i32 to index
    %swap3A_260 = arith.constant 0 : index
    %swap3A_261 = tpu.vector_load %arg13[%swap3A_259, %swap3A_260] {strides = array<i32>} : memref<40x16xf32, #tpu.memory_space<vmem>>, vector<1x16xf32>,
    %swap3A_262 = vector.shape_cast %swap3A_261 : vector<1x16xf32> to vector<16xf32>
    %swap3A_263 = vector.shape_cast %broadcast_in_dim3A_24 : vector<16xf32> to vector<1x16xf32>
    tpu.vector_store %arg13[%swap3A_259, %swap3A_260], %swap3A_263 {strides = array<i32>} : memref<40x16xf32, #tpu.memory_space<vmem>>, vector<1x16xf32>,
    %dma_wait3A = arith.constant 0 : i32
    %dma_wait3A_264 = arith.constant 0 : i32
    %dma_wait3A_265 = arith.constant 0 : i32
    %dma_wait3A_266 = tpu.memref_slice %arg3[%dma_wait3A, %add3A, %dma_wait3A_264, %dma_wait3A_265] : memref<2x32x250x40xi32, #tpu.memory_space<hbm>> -> memref<1x1x250x40xi32, #tpu.memory_space<hbm>>
    %dma_wait3A_267 = tpu.memref_squeeze %dma_wait3A_266 : memref<1x1x250x40xi32, #tpu.memory_space<hbm>> -> memref<250x40xi32, #tpu.memory_space<hbm>>
    %dma_wait3A_268 = arith.constant 0 : i32
    %dma_wait3A_269 = arith.constant 0 : i32
    %dma_wait3A_270 = tpu.memref_slice %arg3[%dma_wait3A, %add3A, %dma_wait3A_268, %dma_wait3A_269] : memref<2x32x250x40xi32, #tpu.memory_space<hbm>> -> memref<1x1x250x40xi32, #tpu.memory_space<hbm>>
    %dma_wait3A_271 = tpu.memref_squeeze %dma_wait3A_270 : memref<1x1x250x40xi32, #tpu.memory_space<hbm>> -> memref<250x40xi32, #tpu.memory_space<hbm>>
    tpu.wait_dma2 semaphore(%arg22 : memref<!tpu.dma_semaphore, #tpu.memory_space<semaphore_mem>>) src(%dma_wait3A_271 : memref<250x40xi32, #tpu.memory_space<hbm>>) dst(%arg8 : memref<250x40xi32, #tpu.memory_space<vmem>>)
    %dma_wait3A_272 = arith.constant 1 : i32
    %dma_wait3A_273 = arith.constant 0 : i32
    %dma_wait3A_274 = arith.constant 0 : i32
    %dma_wait3A_275 = tpu.memref_slice %arg3[%dma_wait3A_272, %add3A, %dma_wait3A_273, %dma_wait3A_274] : memref<2x32x250x40xi32, #tpu.memory_space<hbm>> -> memref<1x1x250x40xi32, #tpu.memory_space<hbm>>
    %dma_wait3A_276 = tpu.memref_squeeze %dma_wait3A_275 : memref<1x1x250x40xi32, #tpu.memory_space<hbm>> -> memref<250x40xi32, #tpu.memory_space<hbm>>
    %dma_wait3A_277 = arith.constant 0 : i32
    %dma_wait3A_278 = arith.constant 0 : i32
    %dma_wait3A_279 = tpu.memref_slice %arg3[%dma_wait3A_272, %add3A, %dma_wait3A_277, %dma_wait3A_278] : memref<2x32x250x40xi32, #tpu.memory_space<hbm>> -> memref<1x1x250x40xi32, #tpu.memory_space<hbm>>
    %dma_wait3A_280 = tpu.memref_squeeze %dma_wait3A_279 : memref<1x1x250x40xi32, #tpu.memory_space<hbm>> -> memref<250x40xi32, #tpu.memory_space<hbm>>
    tpu.wait_dma2 semaphore(%arg22 : memref<!tpu.dma_semaphore, #tpu.memory_space<semaphore_mem>>) src(%dma_wait3A_280 : memref<250x40xi32, #tpu.memory_space<hbm>>) dst(%arg9 : memref<250x40xi32, #tpu.memory_space<vmem>>)
    %dma_start3A_281 = arith.constant 0 : i32
    "tpu.trace_stop"() : () -> ()
    "tpu.trace_start"() <{level = 10 : i32, message = "edges"}> : () -> ()
    %dma_start3A_282 = arith.constant 0 : i32
    %dma_start3A_283 = tpu.memref_slice %arg8[%dma_start3A_281, %dma_start3A_282] : memref<250x40xi32, #tpu.memory_space<vmem>> -> memref<1x40xi32, #tpu.memory_space<vmem>>
    %dma_start3A_284 = tpu.memref_squeeze %dma_start3A_283 : memref<1x40xi32, #tpu.memory_space<vmem>> -> memref<40xi32, #tpu.memory_space<vmem>>
    %dma_start3A_285 = arith.constant 0 : i32
    %dma_start3A_286 = arith.constant 0 : i32
    %dma_start3A_287 = tpu.memref_slice %arg2[%dma_start3A_285, %dma_start3A_286] : memref<10000x128xf32, #tpu.memory_space<hbm>> -> memref<10000x128xf32, #tpu.memory_space<hbm>>
    tpu.enqueue_indirect_dma source(%dma_start3A_287 : memref<10000x128xf32, #tpu.memory_space<hbm>>) target(%arg10 : memref<40x128xf32, #tpu.memory_space<vmem>>) offsets(%dma_start3A_284 : memref<40xi32, #tpu.memory_space<vmem>>) semaphore(%arg16 : memref<!tpu.dma_semaphore, #tpu.memory_space<semaphore_mem>>)
    %dma_start3A_288 = arith.constant 1 : i32
    %dma_start3A_289 = arith.constant 0 : i32
    %dma_start3A_290 = tpu.memref_slice %arg8[%dma_start3A_288, %dma_start3A_289] : memref<250x40xi32, #tpu.memory_space<vmem>> -> memref<1x40xi32, #tpu.memory_space<vmem>>
    %dma_start3A_291 = tpu.memref_squeeze %dma_start3A_290 : memref<1x40xi32, #tpu.memory_space<vmem>> -> memref<40xi32, #tpu.memory_space<vmem>>
    %dma_start3A_292 = arith.constant 0 : i32
    %dma_start3A_293 = arith.constant 0 : i32
    %dma_start3A_294 = tpu.memref_slice %arg2[%dma_start3A_292, %dma_start3A_293] : memref<10000x128xf32, #tpu.memory_space<hbm>> -> memref<10000x128xf32, #tpu.memory_space<hbm>>
    tpu.enqueue_indirect_dma source(%dma_start3A_294 : memref<10000x128xf32, #tpu.memory_space<hbm>>) target(%arg11 : memref<40x128xf32, #tpu.memory_space<vmem>>) offsets(%dma_start3A_291 : memref<40xi32, #tpu.memory_space<vmem>>) semaphore(%arg17 : memref<!tpu.dma_semaphore, #tpu.memory_space<semaphore_mem>>)
    %dma_wait3A_295 = arith.constant 0 : i32
    %dma_wait3A_296 = tpu.memref_slice %arg14[%mul3A_2, %dma_wait3A_295] : memref<10112x128xf32, #tpu.memory_space<vmem_shared>> -> memref<632x128xf32, #tpu.memory_space<vmem_shared>>
    tpu.wait_dma2 semaphore(%arg19 : memref<!tpu.dma_semaphore, #tpu.memory_space<semaphore_mem>>) src(%arg4 : memref<632x128xf32, #tpu.memory_space<hbm>>) dst(%dma_wait3A_296 : memref<632x128xf32, #tpu.memory_space<vmem_shared>>)
    %dma_wait3A_297 = arith.constant 0 : i32
    %dma_wait3A_298 = tpu.memref_slice %arg15[%mul3A_2, %dma_wait3A_297] : memref<10112x16xf32, #tpu.memory_space<vmem_shared>> -> memref<632x16xf32, #tpu.memory_space<vmem_shared>>
    tpu.wait_dma2 semaphore(%arg20 : memref<!tpu.dma_semaphore, #tpu.memory_space<semaphore_mem>>) src(%arg5 : memref<632x16xf32, #tpu.memory_space<hbm>>) dst(%dma_wait3A_298 : memref<632x16xf32, #tpu.memory_space<vmem_shared>>)
    %barrier3A = arith.constant 0 : index
    tpu.barrier barrier_id(%barrier3A)
    %dma_wait3A_299 = arith.constant 0 : i32
    %dma_wait3A_300 = arith.constant 0 : i32
    %dma_wait3A_301 = tpu.memref_slice %arg8[%dma_wait3A_299, %dma_wait3A_300] : memref<250x40xi32, #tpu.memory_space<vmem>> -> memref<1x40xi32, #tpu.memory_space<vmem>>
    %dma_wait3A_302 = tpu.memref_squeeze %dma_wait3A_301 : memref<1x40xi32, #tpu.memory_space<vmem>> -> memref<40xi32, #tpu.memory_space<vmem>>
    %dma_wait3A_303 = arith.constant 0 : i32
    %dma_wait3A_304 = arith.constant 0 : i32
    %dma_wait3A_305 = tpu.memref_slice %arg2[%dma_wait3A_303, %dma_wait3A_304] : memref<10000x128xf32, #tpu.memory_space<hbm>> -> memref<10000x128xf32, #tpu.memory_space<hbm>>
    tpu.wait_indirect_dma semaphore(%arg16 : memref<!tpu.dma_semaphore, #tpu.memory_space<semaphore_mem>>) src(%dma_wait3A_305 : memref<10000x128xf32, #tpu.memory_space<hbm>>) dst(%arg10 : memref<40x128xf32, #tpu.memory_space<vmem>>)
    %dma_start3A_306 = arith.constant 0 : i32
    %dma_start3A_307 = arith.constant 0 : i32
    %dma_start3A_308 = tpu.memref_slice %arg9[%dma_start3A_306, %dma_start3A_307] : memref<250x40xi32, #tpu.memory_space<vmem>> -> memref<1x40xi32, #tpu.memory_space<vmem>>
    %dma_start3A_309 = tpu.memref_squeeze %dma_start3A_308 : memref<1x40xi32, #tpu.memory_space<vmem>> -> memref<40xi32, #tpu.memory_space<vmem>>
    %dma_start3A_310 = arith.constant 0 : i32
    %dma_start3A_311 = arith.constant 0 : i32
    %dma_start3A_312 = tpu.memref_slice %arg14[%dma_start3A_310, %dma_start3A_311] : memref<10112x128xf32, #tpu.memory_space<vmem_shared>> -> memref<10112x128xf32, #tpu.memory_space<vmem_shared>>
    tpu.enqueue_indirect_dma source(%arg10 : memref<40x128xf32, #tpu.memory_space<vmem>>) target(%dma_start3A_312 : memref<10112x128xf32, #tpu.memory_space<vmem_shared>>) offsets(%dma_start3A_309 : memref<40xi32, #tpu.memory_space<vmem>>) semaphore(%arg19 : memref<!tpu.dma_semaphore, #tpu.memory_space<semaphore_mem>>) {add = true}
    %dma_start3A_313 = arith.constant 0 : i32
    %dma_start3A_314 = arith.constant 0 : i32
    %dma_start3A_315 = tpu.memref_slice %arg9[%dma_start3A_313, %dma_start3A_314] : memref<250x40xi32, #tpu.memory_space<vmem>> -> memref<1x40xi32, #tpu.memory_space<vmem>>
    %dma_start3A_316 = tpu.memref_squeeze %dma_start3A_315 : memref<1x40xi32, #tpu.memory_space<vmem>> -> memref<40xi32, #tpu.memory_space<vmem>>
    %dma_start3A_317 = arith.constant 0 : i32
    %dma_start3A_318 = arith.constant 0 : i32
    %dma_start3A_319 = tpu.memref_slice %arg15[%dma_start3A_317, %dma_start3A_318] : memref<10112x16xf32, #tpu.memory_space<vmem_shared>> -> memref<10112x16xf32, #tpu.memory_space<vmem_shared>>
    tpu.enqueue_indirect_dma source(%arg13 : memref<40x16xf32, #tpu.memory_space<vmem>>) target(%dma_start3A_319 : memref<10112x16xf32, #tpu.memory_space<vmem_shared>>) offsets(%dma_start3A_316 : memref<40xi32, #tpu.memory_space<vmem>>) semaphore(%arg19 : memref<!tpu.dma_semaphore, #tpu.memory_space<semaphore_mem>>) {add = true}
    %dma_start3A_320 = arith.constant 2 : i32
    %dma_start3A_321 = arith.constant 0 : i32
    %dma_start3A_322 = tpu.memref_slice %arg8[%dma_start3A_320, %dma_start3A_321] : memref<250x40xi32, #tpu.memory_space<vmem>> -> memref<1x40xi32, #tpu.memory_space<vmem>>
    %dma_start3A_323 = tpu.memref_squeeze %dma_start3A_322 : memref<1x40xi32, #tpu.memory_space<vmem>> -> memref<40xi32, #tpu.memory_space<vmem>>
    %dma_start3A_324 = arith.constant 0 : i32
    %dma_start3A_325 = arith.constant 0 : i32
    %dma_start3A_326 = tpu.memref_slice %arg2[%dma_start3A_324, %dma_start3A_325] : memref<10000x128xf32, #tpu.memory_space<hbm>> -> memref<10000x128xf32, #tpu.memory_space<hbm>>
    tpu.enqueue_indirect_dma source(%dma_start3A_326 : memref<10000x128xf32, #tpu.memory_space<hbm>>) target(%arg12 : memref<40x128xf32, #tpu.memory_space<vmem>>) offsets(%dma_start3A_323 : memref<40xi32, #tpu.memory_space<vmem>>) semaphore(%arg18 : memref<!tpu.dma_semaphore, #tpu.memory_space<semaphore_mem>>)
    %scan3A = arith.constant 0 : i32
    %scan3A_327 = arith.constant 0 : i32
    %scan3A_328 = arith.constant 82 : i32
    %scan3A_329 = arith.addi %scan3A_327, %scan3A_328 : i32
    %scan3A_330 = arith.constant 1 : i32
    scf.for %scan3A_459 = %scan3A_327 to %scan3A_329 step %scan3A_330  : i32 {
      %mul3A_460 = arith.constant 3 : i32
      %mul3A_461 = arith.muli %mul3A_460, %scan3A_459 : i32
      %add3A_462 = arith.constant 1 : i32
      %add3A_463 = arith.addi %mul3A_461, %add3A_462 : i32
      %dma_wait3A_464 = arith.constant 0 : i32
      %dma_wait3A_465 = arith.constant 0 : i32
      %dma_wait3A_466 = tpu.memref_slice %arg8[%dma_wait3A_464, %dma_wait3A_465] : memref<250x40xi32, #tpu.memory_space<vmem>> -> memref<1x40xi32, #tpu.memory_space<vmem>>
      %dma_wait3A_467 = tpu.memref_squeeze %dma_wait3A_466 : memref<1x40xi32, #tpu.memory_space<vmem>> -> memref<40xi32, #tpu.memory_space<vmem>>
      %dma_wait3A_468 = arith.constant 0 : i32
      %dma_wait3A_469 = arith.constant 0 : i32
      %dma_wait3A_470 = tpu.memref_slice %arg2[%dma_wait3A_468, %dma_wait3A_469] : memref<10000x128xf32, #tpu.memory_space<hbm>> -> memref<10000x128xf32, #tpu.memory_space<hbm>>
      tpu.wait_indirect_dma semaphore(%arg17 : memref<!tpu.dma_semaphore, #tpu.memory_space<semaphore_mem>>) src(%dma_wait3A_470 : memref<10000x128xf32, #tpu.memory_space<hbm>>) dst(%arg11 : memref<40x128xf32, #tpu.memory_space<vmem>>)
      %dma_wait3A_471 = arith.constant 0 : i32
      %dma_wait3A_472 = arith.constant 0 : i32
      %dma_wait3A_473 = tpu.memref_slice %arg9[%dma_wait3A_471, %dma_wait3A_472] : memref<250x40xi32, #tpu.memory_space<vmem>> -> memref<1x40xi32, #tpu.memory_space<vmem>>
      %dma_wait3A_474 = tpu.memref_squeeze %dma_wait3A_473 : memref<1x40xi32, #tpu.memory_space<vmem>> -> memref<40xi32, #tpu.memory_space<vmem>>
      %dma_wait3A_475 = arith.constant 0 : i32
      %dma_wait3A_476 = arith.constant 0 : i32
      %dma_wait3A_477 = tpu.memref_slice %arg14[%dma_wait3A_475, %dma_wait3A_476] : memref<10112x128xf32, #tpu.memory_space<vmem_shared>> -> memref<10112x128xf32, #tpu.memory_space<vmem_shared>>
      tpu.wait_indirect_dma semaphore(%arg19 : memref<!tpu.dma_semaphore, #tpu.memory_space<semaphore_mem>>) src(%arg10 : memref<40x128xf32, #tpu.memory_space<vmem>>) dst(%dma_wait3A_477 : memref<10112x128xf32, #tpu.memory_space<vmem_shared>>)
      %dma_wait3A_478 = arith.constant 0 : i32
      %dma_wait3A_479 = arith.constant 0 : i32
      %dma_wait3A_480 = tpu.memref_slice %arg9[%dma_wait3A_478, %dma_wait3A_479] : memref<250x40xi32, #tpu.memory_space<vmem>> -> memref<1x40xi32, #tpu.memory_space<vmem>>
      %dma_wait3A_481 = tpu.memref_squeeze %dma_wait3A_480 : memref<1x40xi32, #tpu.memory_space<vmem>> -> memref<40xi32, #tpu.memory_space<vmem>>
      %dma_wait3A_482 = arith.constant 0 : i32
      %dma_wait3A_483 = arith.constant 0 : i32
      %dma_wait3A_484 = tpu.memref_slice %arg15[%dma_wait3A_482, %dma_wait3A_483] : memref<10112x16xf32, #tpu.memory_space<vmem_shared>> -> memref<10112x16xf32, #tpu.memory_space<vmem_shared>>
      tpu.wait_indirect_dma semaphore(%arg19 : memref<!tpu.dma_semaphore, #tpu.memory_space<semaphore_mem>>) src(%arg13 : memref<40x16xf32, #tpu.memory_space<vmem>>) dst(%dma_wait3A_484 : memref<10112x16xf32, #tpu.memory_space<vmem_shared>>)
      %dma_start3A_485 = arith.constant 0 : i32
      %dma_start3A_486 = tpu.memref_slice %arg9[%add3A_463, %dma_start3A_485] : memref<250x40xi32, #tpu.memory_space<vmem>> -> memref<1x40xi32, #tpu.memory_space<vmem>>
      %dma_start3A_487 = tpu.memref_squeeze %dma_start3A_486 : memref<1x40xi32, #tpu.memory_space<vmem>> -> memref<40xi32, #tpu.memory_space<vmem>>
      %dma_start3A_488 = arith.constant 0 : i32
      %dma_start3A_489 = arith.constant 0 : i32
      %dma_start3A_490 = tpu.memref_slice %arg14[%dma_start3A_488, %dma_start3A_489] : memref<10112x128xf32, #tpu.memory_space<vmem_shared>> -> memref<10112x128xf32, #tpu.memory_space<vmem_shared>>
      tpu.enqueue_indirect_dma source(%arg11 : memref<40x128xf32, #tpu.memory_space<vmem>>) target(%dma_start3A_490 : memref<10112x128xf32, #tpu.memory_space<vmem_shared>>) offsets(%dma_start3A_487 : memref<40xi32, #tpu.memory_space<vmem>>) semaphore(%arg20 : memref<!tpu.dma_semaphore, #tpu.memory_space<semaphore_mem>>) {add = true}
      %dma_start3A_491 = arith.constant 0 : i32
      %dma_start3A_492 = tpu.memref_slice %arg9[%add3A_463, %dma_start3A_491] : memref<250x40xi32, #tpu.memory_space<vmem>> -> memref<1x40xi32, #tpu.memory_space<vmem>>
      %dma_start3A_493 = tpu.memref_squeeze %dma_start3A_492 : memref<1x40xi32, #tpu.memory_space<vmem>> -> memref<40xi32, #tpu.memory_space<vmem>>
      %dma_start3A_494 = arith.constant 0 : i32
      %dma_start3A_495 = arith.constant 0 : i32
      %dma_start3A_496 = tpu.memref_slice %arg15[%dma_start3A_494, %dma_start3A_495] : memref<10112x16xf32, #tpu.memory_space<vmem_shared>> -> memref<10112x16xf32, #tpu.memory_space<vmem_shared>>
      tpu.enqueue_indirect_dma source(%arg13 : memref<40x16xf32, #tpu.memory_space<vmem>>) target(%dma_start3A_496 : memref<10112x16xf32, #tpu.memory_space<vmem_shared>>) offsets(%dma_start3A_493 : memref<40xi32, #tpu.memory_space<vmem>>) semaphore(%arg20 : memref<!tpu.dma_semaphore, #tpu.memory_space<semaphore_mem>>) {add = true}
      %add3A_497 = arith.constant 2 : i32
      %add3A_498 = arith.addi %add3A_463, %add3A_497 : i32
      %dma_start3A_499 = arith.constant 0 : i32
      %dma_start3A_500 = tpu.memref_slice %arg8[%add3A_498, %dma_start3A_499] : memref<250x40xi32, #tpu.memory_space<vmem>> -> memref<1x40xi32, #tpu.memory_space<vmem>>
      %dma_start3A_501 = tpu.memref_squeeze %dma_start3A_500 : memref<1x40xi32, #tpu.memory_space<vmem>> -> memref<40xi32, #tpu.memory_space<vmem>>
      %dma_start3A_502 = arith.constant 0 : i32
      %dma_start3A_503 = arith.constant 0 : i32
      %dma_start3A_504 = tpu.memref_slice %arg2[%dma_start3A_502, %dma_start3A_503] : memref<10000x128xf32, #tpu.memory_space<hbm>> -> memref<10000x128xf32, #tpu.memory_space<hbm>>
      tpu.enqueue_indirect_dma source(%dma_start3A_504 : memref<10000x128xf32, #tpu.memory_space<hbm>>) target(%arg10 : memref<40x128xf32, #tpu.memory_space<vmem>>) offsets(%dma_start3A_501 : memref<40xi32, #tpu.memory_space<vmem>>) semaphore(%arg16 : memref<!tpu.dma_semaphore, #tpu.memory_space<semaphore_mem>>)
      %add3A_505 = arith.constant 1 : i32
      %add3A_506 = arith.addi %add3A_463, %add3A_505 : i32
      %dma_wait3A_507 = arith.constant 0 : i32
      %dma_wait3A_508 = arith.constant 0 : i32
      %dma_wait3A_509 = tpu.memref_slice %arg8[%dma_wait3A_507, %dma_wait3A_508] : memref<250x40xi32, #tpu.memory_space<vmem>> -> memref<1x40xi32, #tpu.memory_space<vmem>>
      %dma_wait3A_510 = tpu.memref_squeeze %dma_wait3A_509 : memref<1x40xi32, #tpu.memory_space<vmem>> -> memref<40xi32, #tpu.memory_space<vmem>>
      %dma_wait3A_511 = arith.constant 0 : i32
      %dma_wait3A_512 = arith.constant 0 : i32
      %dma_wait3A_513 = tpu.memref_slice %arg2[%dma_wait3A_511, %dma_wait3A_512] : memref<10000x128xf32, #tpu.memory_space<hbm>> -> memref<10000x128xf32, #tpu.memory_space<hbm>>
      tpu.wait_indirect_dma semaphore(%arg18 : memref<!tpu.dma_semaphore, #tpu.memory_space<semaphore_mem>>) src(%dma_wait3A_513 : memref<10000x128xf32, #tpu.memory_space<hbm>>) dst(%arg12 : memref<40x128xf32, #tpu.memory_space<vmem>>)
      %dma_wait3A_514 = arith.constant 0 : i32
      %dma_wait3A_515 = arith.constant 0 : i32
      %dma_wait3A_516 = tpu.memref_slice %arg9[%dma_wait3A_514, %dma_wait3A_515] : memref<250x40xi32, #tpu.memory_space<vmem>> -> memref<1x40xi32, #tpu.memory_space<vmem>>
      %dma_wait3A_517 = tpu.memref_squeeze %dma_wait3A_516 : memref<1x40xi32, #tpu.memory_space<vmem>> -> memref<40xi32, #tpu.memory_space<vmem>>
      %dma_wait3A_518 = arith.constant 0 : i32
      %dma_wait3A_519 = arith.constant 0 : i32
      %dma_wait3A_520 = tpu.memref_slice %arg14[%dma_wait3A_518, %dma_wait3A_519] : memref<10112x128xf32, #tpu.memory_space<vmem_shared>> -> memref<10112x128xf32, #tpu.memory_space<vmem_shared>>
      tpu.wait_indirect_dma semaphore(%arg20 : memref<!tpu.dma_semaphore, #tpu.memory_space<semaphore_mem>>) src(%arg11 : memref<40x128xf32, #tpu.memory_space<vmem>>) dst(%dma_wait3A_520 : memref<10112x128xf32, #tpu.memory_space<vmem_shared>>)
      %dma_wait3A_521 = arith.constant 0 : i32
      %dma_wait3A_522 = arith.constant 0 : i32
      %dma_wait3A_523 = tpu.memref_slice %arg9[%dma_wait3A_521, %dma_wait3A_522] : memref<250x40xi32, #tpu.memory_space<vmem>> -> memref<1x40xi32, #tpu.memory_space<vmem>>
      %dma_wait3A_524 = tpu.memref_squeeze %dma_wait3A_523 : memref<1x40xi32, #tpu.memory_space<vmem>> -> memref<40xi32, #tpu.memory_space<vmem>>
      %dma_wait3A_525 = arith.constant 0 : i32
      %dma_wait3A_526 = arith.constant 0 : i32
      %dma_wait3A_527 = tpu.memref_slice %arg15[%dma_wait3A_525, %dma_wait3A_526] : memref<10112x16xf32, #tpu.memory_space<vmem_shared>> -> memref<10112x16xf32, #tpu.memory_space<vmem_shared>>
      tpu.wait_indirect_dma semaphore(%arg20 : memref<!tpu.dma_semaphore, #tpu.memory_space<semaphore_mem>>) src(%arg13 : memref<40x16xf32, #tpu.memory_space<vmem>>) dst(%dma_wait3A_527 : memref<10112x16xf32, #tpu.memory_space<vmem_shared>>)
      %dma_start3A_528 = arith.constant 0 : i32
      %dma_start3A_529 = tpu.memref_slice %arg9[%add3A_506, %dma_start3A_528] : memref<250x40xi32, #tpu.memory_space<vmem>> -> memref<1x40xi32, #tpu.memory_space<vmem>>
      %dma_start3A_530 = tpu.memref_squeeze %dma_start3A_529 : memref<1x40xi32, #tpu.memory_space<vmem>> -> memref<40xi32, #tpu.memory_space<vmem>>
      %dma_start3A_531 = arith.constant 0 : i32
      %dma_start3A_532 = arith.constant 0 : i32
      %dma_start3A_533 = tpu.memref_slice %arg14[%dma_start3A_531, %dma_start3A_532] : memref<10112x128xf32, #tpu.memory_space<vmem_shared>> -> memref<10112x128xf32, #tpu.memory_space<vmem_shared>>
      tpu.enqueue_indirect_dma source(%arg12 : memref<40x128xf32, #tpu.memory_space<vmem>>) target(%dma_start3A_533 : memref<10112x128xf32, #tpu.memory_space<vmem_shared>>) offsets(%dma_start3A_530 : memref<40xi32, #tpu.memory_space<vmem>>) semaphore(%arg21 : memref<!tpu.dma_semaphore, #tpu.memory_space<semaphore_mem>>) {add = true}
      %dma_start3A_534 = arith.constant 0 : i32
      %dma_start3A_535 = tpu.memref_slice %arg9[%add3A_506, %dma_start3A_534] : memref<250x40xi32, #tpu.memory_space<vmem>> -> memref<1x40xi32, #tpu.memory_space<vmem>>
      %dma_start3A_536 = tpu.memref_squeeze %dma_start3A_535 : memref<1x40xi32, #tpu.memory_space<vmem>> -> memref<40xi32, #tpu.memory_space<vmem>>
      %dma_start3A_537 = arith.constant 0 : i32
      %dma_start3A_538 = arith.constant 0 : i32
      %dma_start3A_539 = tpu.memref_slice %arg15[%dma_start3A_537, %dma_start3A_538] : memref<10112x16xf32, #tpu.memory_space<vmem_shared>> -> memref<10112x16xf32, #tpu.memory_space<vmem_shared>>
      tpu.enqueue_indirect_dma source(%arg13 : memref<40x16xf32, #tpu.memory_space<vmem>>) target(%dma_start3A_539 : memref<10112x16xf32, #tpu.memory_space<vmem_shared>>) offsets(%dma_start3A_536 : memref<40xi32, #tpu.memory_space<vmem>>) semaphore(%arg21 : memref<!tpu.dma_semaphore, #tpu.memory_space<semaphore_mem>>) {add = true}
      %add3A_540 = arith.constant 2 : i32
      %add3A_541 = arith.addi %add3A_506, %add3A_540 : i32
      %dma_start3A_542 = arith.constant 0 : i32
      %dma_start3A_543 = tpu.memref_slice %arg8[%add3A_541, %dma_start3A_542] : memref<250x40xi32, #tpu.memory_space<vmem>> -> memref<1x40xi32, #tpu.memory_space<vmem>>
      %dma_start3A_544 = tpu.memref_squeeze %dma_start3A_543 : memref<1x40xi32, #tpu.memory_space<vmem>> -> memref<40xi32, #tpu.memory_space<vmem>>
      %dma_start3A_545 = arith.constant 0 : i32
      %dma_start3A_546 = arith.constant 0 : i32
      %dma_start3A_547 = tpu.memref_slice %arg2[%dma_start3A_545, %dma_start3A_546] : memref<10000x128xf32, #tpu.memory_space<hbm>> -> memref<10000x128xf32, #tpu.memory_space<hbm>>
      tpu.enqueue_indirect_dma source(%dma_start3A_547 : memref<10000x128xf32, #tpu.memory_space<hbm>>) target(%arg11 : memref<40x128xf32, #tpu.memory_space<vmem>>) offsets(%dma_start3A_544 : memref<40xi32, #tpu.memory_space<vmem>>) semaphore(%arg17 : memref<!tpu.dma_semaphore, #tpu.memory_space<semaphore_mem>>)
      %add3A_548 = arith.constant 2 : i32
      %add3A_549 = arith.addi %add3A_463, %add3A_548 : i32
      %dma_wait3A_550 = arith.constant 0 : i32
      %dma_wait3A_551 = arith.constant 0 : i32
      %dma_wait3A_552 = tpu.memref_slice %arg8[%dma_wait3A_550, %dma_wait3A_551] : memref<250x40xi32, #tpu.memory_space<vmem>> -> memref<1x40xi32, #tpu.memory_space<vmem>>
      %dma_wait3A_553 = tpu.memref_squeeze %dma_wait3A_552 : memref<1x40xi32, #tpu.memory_space<vmem>> -> memref<40xi32, #tpu.memory_space<vmem>>
      %dma_wait3A_554 = arith.constant 0 : i32
      %dma_wait3A_555 = arith.constant 0 : i32
      %dma_wait3A_556 = tpu.memref_slice %arg2[%dma_wait3A_554, %dma_wait3A_555] : memref<10000x128xf32, #tpu.memory_space<hbm>> -> memref<10000x128xf32, #tpu.memory_space<hbm>>
      tpu.wait_indirect_dma semaphore(%arg16 : memref<!tpu.dma_semaphore, #tpu.memory_space<semaphore_mem>>) src(%dma_wait3A_556 : memref<10000x128xf32, #tpu.memory_space<hbm>>) dst(%arg10 : memref<40x128xf32, #tpu.memory_space<vmem>>)
      %dma_wait3A_557 = arith.constant 0 : i32
      %dma_wait3A_558 = arith.constant 0 : i32
      %dma_wait3A_559 = tpu.memref_slice %arg9[%dma_wait3A_557, %dma_wait3A_558] : memref<250x40xi32, #tpu.memory_space<vmem>> -> memref<1x40xi32, #tpu.memory_space<vmem>>
      %dma_wait3A_560 = tpu.memref_squeeze %dma_wait3A_559 : memref<1x40xi32, #tpu.memory_space<vmem>> -> memref<40xi32, #tpu.memory_space<vmem>>
      %dma_wait3A_561 = arith.constant 0 : i32
      %dma_wait3A_562 = arith.constant 0 : i32
      %dma_wait3A_563 = tpu.memref_slice %arg14[%dma_wait3A_561, %dma_wait3A_562] : memref<10112x128xf32, #tpu.memory_space<vmem_shared>> -> memref<10112x128xf32, #tpu.memory_space<vmem_shared>>
      tpu.wait_indirect_dma semaphore(%arg21 : memref<!tpu.dma_semaphore, #tpu.memory_space<semaphore_mem>>) src(%arg12 : memref<40x128xf32, #tpu.memory_space<vmem>>) dst(%dma_wait3A_563 : memref<10112x128xf32, #tpu.memory_space<vmem_shared>>)
      %dma_wait3A_564 = arith.constant 0 : i32
      %dma_wait3A_565 = arith.constant 0 : i32
      %dma_wait3A_566 = tpu.memref_slice %arg9[%dma_wait3A_564, %dma_wait3A_565] : memref<250x40xi32, #tpu.memory_space<vmem>> -> memref<1x40xi32, #tpu.memory_space<vmem>>
      %dma_wait3A_567 = tpu.memref_squeeze %dma_wait3A_566 : memref<1x40xi32, #tpu.memory_space<vmem>> -> memref<40xi32, #tpu.memory_space<vmem>>
      %dma_wait3A_568 = arith.constant 0 : i32
      %dma_wait3A_569 = arith.constant 0 : i32
      %dma_wait3A_570 = tpu.memref_slice %arg15[%dma_wait3A_568, %dma_wait3A_569] : memref<10112x16xf32, #tpu.memory_space<vmem_shared>> -> memref<10112x16xf32, #tpu.memory_space<vmem_shared>>
      tpu.wait_indirect_dma semaphore(%arg21 : memref<!tpu.dma_semaphore, #tpu.memory_space<semaphore_mem>>) src(%arg13 : memref<40x16xf32, #tpu.memory_space<vmem>>) dst(%dma_wait3A_570 : memref<10112x16xf32, #tpu.memory_space<vmem_shared>>)
      %dma_start3A_571 = arith.constant 0 : i32
      %dma_start3A_572 = tpu.memref_slice %arg9[%add3A_549, %dma_start3A_571] : memref<250x40xi32, #tpu.memory_space<vmem>> -> memref<1x40xi32, #tpu.memory_space<vmem>>
      %dma_start3A_573 = tpu.memref_squeeze %dma_start3A_572 : memref<1x40xi32, #tpu.memory_space<vmem>> -> memref<40xi32, #tpu.memory_space<vmem>>
      %dma_start3A_574 = arith.constant 0 : i32
      %dma_start3A_575 = arith.constant 0 : i32
      %dma_start3A_576 = tpu.memref_slice %arg14[%dma_start3A_574, %dma_start3A_575] : memref<10112x128xf32, #tpu.memory_space<vmem_shared>> -> memref<10112x128xf32, #tpu.memory_space<vmem_shared>>
      tpu.enqueue_indirect_dma source(%arg10 : memref<40x128xf32, #tpu.memory_space<vmem>>) target(%dma_start3A_576 : memref<10112x128xf32, #tpu.memory_space<vmem_shared>>) offsets(%dma_start3A_573 : memref<40xi32, #tpu.memory_space<vmem>>) semaphore(%arg19 : memref<!tpu.dma_semaphore, #tpu.memory_space<semaphore_mem>>) {add = true}
      %dma_start3A_577 = arith.constant 0 : i32
      %dma_start3A_578 = tpu.memref_slice %arg9[%add3A_549, %dma_start3A_577] : memref<250x40xi32, #tpu.memory_space<vmem>> -> memref<1x40xi32, #tpu.memory_space<vmem>>
      %dma_start3A_579 = tpu.memref_squeeze %dma_start3A_578 : memref<1x40xi32, #tpu.memory_space<vmem>> -> memref<40xi32, #tpu.memory_space<vmem>>
      %dma_start3A_580 = arith.constant 0 : i32
      %dma_start3A_581 = arith.constant 0 : i32
      %dma_start3A_582 = tpu.memref_slice %arg15[%dma_start3A_580, %dma_start3A_581] : memref<10112x16xf32, #tpu.memory_space<vmem_shared>> -> memref<10112x16xf32, #tpu.memory_space<vmem_shared>>
      tpu.enqueue_indirect_dma source(%arg13 : memref<40x16xf32, #tpu.memory_space<vmem>>) target(%dma_start3A_582 : memref<10112x16xf32, #tpu.memory_space<vmem_shared>>) offsets(%dma_start3A_579 : memref<40xi32, #tpu.memory_space<vmem>>) semaphore(%arg19 : memref<!tpu.dma_semaphore, #tpu.memory_space<semaphore_mem>>) {add = true}
      %add3A_583 = arith.constant 2 : i32
      %add3A_584 = arith.addi %add3A_549, %add3A_583 : i32
      %dma_start3A_585 = arith.constant 0 : i32
      %dma_start3A_586 = tpu.memref_slice %arg8[%add3A_584, %dma_start3A_585] : memref<250x40xi32, #tpu.memory_space<vmem>> -> memref<1x40xi32, #tpu.memory_space<vmem>>
      %dma_start3A_587 = tpu.memref_squeeze %dma_start3A_586 : memref<1x40xi32, #tpu.memory_space<vmem>> -> memref<40xi32, #tpu.memory_space<vmem>>
      %dma_start3A_588 = arith.constant 0 : i32
      %dma_start3A_589 = arith.constant 0 : i32
      %dma_start3A_590 = tpu.memref_slice %arg2[%dma_start3A_588, %dma_start3A_589] : memref<10000x128xf32, #tpu.memory_space<hbm>> -> memref<10000x128xf32, #tpu.memory_space<hbm>>
      tpu.enqueue_indirect_dma source(%dma_start3A_590 : memref<10000x128xf32, #tpu.memory_space<hbm>>) target(%arg12 : memref<40x128xf32, #tpu.memory_space<vmem>>) offsets(%dma_start3A_587 : memref<40xi32, #tpu.memory_space<vmem>>) semaphore(%arg18 : memref<!tpu.dma_semaphore, #tpu.memory_space<semaphore_mem>>)
    }
    %scan3A_331 = arith.constant 82 : i32
    %dma_wait3A_332 = arith.constant 0 : i32
    %dma_wait3A_333 = arith.constant 0 : i32
    %dma_wait3A_334 = tpu.memref_slice %arg8[%dma_wait3A_332, %dma_wait3A_333] : memref<250x40xi32, #tpu.memory_space<vmem>> -> memref<1x40xi32, #tpu.memory_space<vmem>>
    %dma_wait3A_335 = tpu.memref_squeeze %dma_wait3A_334 : memref<1x40xi32, #tpu.memory_space<vmem>> -> memref<40xi32, #tpu.memory_space<vmem>>
    %dma_wait3A_336 = arith.constant 0 : i32
    %dma_wait3A_337 = arith.constant 0 : i32
    %dma_wait3A_338 = tpu.memref_slice %arg2[%dma_wait3A_336, %dma_wait3A_337] : memref<10000x128xf32, #tpu.memory_space<hbm>> -> memref<10000x128xf32, #tpu.memory_space<hbm>>
    tpu.wait_indirect_dma semaphore(%arg17 : memref<!tpu.dma_semaphore, #tpu.memory_space<semaphore_mem>>) src(%dma_wait3A_338 : memref<10000x128xf32, #tpu.memory_space<hbm>>) dst(%arg11 : memref<40x128xf32, #tpu.memory_space<vmem>>)
    %dma_wait3A_339 = arith.constant 0 : i32
    %dma_wait3A_340 = arith.constant 0 : i32
    %dma_wait3A_341 = tpu.memref_slice %arg9[%dma_wait3A_339, %dma_wait3A_340] : memref<250x40xi32, #tpu.memory_space<vmem>> -> memref<1x40xi32, #tpu.memory_space<vmem>>
    %dma_wait3A_342 = tpu.memref_squeeze %dma_wait3A_341 : memref<1x40xi32, #tpu.memory_space<vmem>> -> memref<40xi32, #tpu.memory_space<vmem>>
    %dma_wait3A_343 = arith.constant 0 : i32
    %dma_wait3A_344 = arith.constant 0 : i32
    %dma_wait3A_345 = tpu.memref_slice %arg14[%dma_wait3A_343, %dma_wait3A_344] : memref<10112x128xf32, #tpu.memory_space<vmem_shared>> -> memref<10112x128xf32, #tpu.memory_space<vmem_shared>>
    tpu.wait_indirect_dma semaphore(%arg19 : memref<!tpu.dma_semaphore, #tpu.memory_space<semaphore_mem>>) src(%arg10 : memref<40x128xf32, #tpu.memory_space<vmem>>) dst(%dma_wait3A_345 : memref<10112x128xf32, #tpu.memory_space<vmem_shared>>)
    %dma_wait3A_346 = arith.constant 0 : i32
    %dma_wait3A_347 = arith.constant 0 : i32
    %dma_wait3A_348 = tpu.memref_slice %arg9[%dma_wait3A_346, %dma_wait3A_347] : memref<250x40xi32, #tpu.memory_space<vmem>> -> memref<1x40xi32, #tpu.memory_space<vmem>>
    %dma_wait3A_349 = tpu.memref_squeeze %dma_wait3A_348 : memref<1x40xi32, #tpu.memory_space<vmem>> -> memref<40xi32, #tpu.memory_space<vmem>>
    %dma_wait3A_350 = arith.constant 0 : i32
    %dma_wait3A_351 = arith.constant 0 : i32
    %dma_wait3A_352 = tpu.memref_slice %arg15[%dma_wait3A_350, %dma_wait3A_351] : memref<10112x16xf32, #tpu.memory_space<vmem_shared>> -> memref<10112x16xf32, #tpu.memory_space<vmem_shared>>
    tpu.wait_indirect_dma semaphore(%arg19 : memref<!tpu.dma_semaphore, #tpu.memory_space<semaphore_mem>>) src(%arg13 : memref<40x16xf32, #tpu.memory_space<vmem>>) dst(%dma_wait3A_352 : memref<10112x16xf32, #tpu.memory_space<vmem_shared>>)
    %dma_start3A_353 = arith.constant 247 : i32
    %dma_start3A_354 = arith.constant 0 : i32
    %dma_start3A_355 = tpu.memref_slice %arg9[%dma_start3A_353, %dma_start3A_354] : memref<250x40xi32, #tpu.memory_space<vmem>> -> memref<1x40xi32, #tpu.memory_space<vmem>>
    %dma_start3A_356 = tpu.memref_squeeze %dma_start3A_355 : memref<1x40xi32, #tpu.memory_space<vmem>> -> memref<40xi32, #tpu.memory_space<vmem>>
    %dma_start3A_357 = arith.constant 0 : i32
    %dma_start3A_358 = arith.constant 0 : i32
    %dma_start3A_359 = tpu.memref_slice %arg14[%dma_start3A_357, %dma_start3A_358] : memref<10112x128xf32, #tpu.memory_space<vmem_shared>> -> memref<10112x128xf32, #tpu.memory_space<vmem_shared>>
    tpu.enqueue_indirect_dma source(%arg11 : memref<40x128xf32, #tpu.memory_space<vmem>>) target(%dma_start3A_359 : memref<10112x128xf32, #tpu.memory_space<vmem_shared>>) offsets(%dma_start3A_356 : memref<40xi32, #tpu.memory_space<vmem>>) semaphore(%arg20 : memref<!tpu.dma_semaphore, #tpu.memory_space<semaphore_mem>>) {add = true}
    %dma_start3A_360 = arith.constant 247 : i32
    %dma_start3A_361 = arith.constant 0 : i32
    %dma_start3A_362 = tpu.memref_slice %arg9[%dma_start3A_360, %dma_start3A_361] : memref<250x40xi32, #tpu.memory_space<vmem>> -> memref<1x40xi32, #tpu.memory_space<vmem>>
    %dma_start3A_363 = tpu.memref_squeeze %dma_start3A_362 : memref<1x40xi32, #tpu.memory_space<vmem>> -> memref<40xi32, #tpu.memory_space<vmem>>
    %dma_start3A_364 = arith.constant 0 : i32
    %dma_start3A_365 = arith.constant 0 : i32
    %dma_start3A_366 = tpu.memref_slice %arg15[%dma_start3A_364, %dma_start3A_365] : memref<10112x16xf32, #tpu.memory_space<vmem_shared>> -> memref<10112x16xf32, #tpu.memory_space<vmem_shared>>
    tpu.enqueue_indirect_dma source(%arg13 : memref<40x16xf32, #tpu.memory_space<vmem>>) target(%dma_start3A_366 : memref<10112x16xf32, #tpu.memory_space<vmem_shared>>) offsets(%dma_start3A_363 : memref<40xi32, #tpu.memory_space<vmem>>) semaphore(%arg20 : memref<!tpu.dma_semaphore, #tpu.memory_space<semaphore_mem>>) {add = true}
    %dma_start3A_367 = arith.constant 249 : i32
    %dma_start3A_368 = arith.constant 0 : i32
    %dma_start3A_369 = tpu.memref_slice %arg8[%dma_start3A_367, %dma_start3A_368] : memref<250x40xi32, #tpu.memory_space<vmem>> -> memref<1x40xi32, #tpu.memory_space<vmem>>
    %dma_start3A_370 = tpu.memref_squeeze %dma_start3A_369 : memref<1x40xi32, #tpu.memory_space<vmem>> -> memref<40xi32, #tpu.memory_space<vmem>>
    %dma_start3A_371 = arith.constant 0 : i32
    %dma_start3A_372 = arith.constant 0 : i32
    %dma_start3A_373 = tpu.memref_slice %arg2[%dma_start3A_371, %dma_start3A_372] : memref<10000x128xf32, #tpu.memory_space<hbm>> -> memref<10000x128xf32, #tpu.memory_space<hbm>>
    tpu.enqueue_indirect_dma source(%dma_start3A_373 : memref<10000x128xf32, #tpu.memory_space<hbm>>) target(%arg10 : memref<40x128xf32, #tpu.memory_space<vmem>>) offsets(%dma_start3A_370 : memref<40xi32, #tpu.memory_space<vmem>>) semaphore(%arg16 : memref<!tpu.dma_semaphore, #tpu.memory_space<semaphore_mem>>)
    %dma_wait3A_374 = arith.constant 0 : i32
    %dma_wait3A_375 = arith.constant 0 : i32
    %dma_wait3A_376 = tpu.memref_slice %arg8[%dma_wait3A_374, %dma_wait3A_375] : memref<250x40xi32, #tpu.memory_space<vmem>> -> memref<1x40xi32, #tpu.memory_space<vmem>>
    %dma_wait3A_377 = tpu.memref_squeeze %dma_wait3A_376 : memref<1x40xi32, #tpu.memory_space<vmem>> -> memref<40xi32, #tpu.memory_space<vmem>>
    %dma_wait3A_378 = arith.constant 0 : i32
    %dma_wait3A_379 = arith.constant 0 : i32
    %dma_wait3A_380 = tpu.memref_slice %arg2[%dma_wait3A_378, %dma_wait3A_379] : memref<10000x128xf32, #tpu.memory_space<hbm>> -> memref<10000x128xf32, #tpu.memory_space<hbm>>
    tpu.wait_indirect_dma semaphore(%arg18 : memref<!tpu.dma_semaphore, #tpu.memory_space<semaphore_mem>>) src(%dma_wait3A_380 : memref<10000x128xf32, #tpu.memory_space<hbm>>) dst(%arg12 : memref<40x128xf32, #tpu.memory_space<vmem>>)
    %dma_wait3A_381 = arith.constant 0 : i32
    %dma_wait3A_382 = arith.constant 0 : i32
    %dma_wait3A_383 = tpu.memref_slice %arg9[%dma_wait3A_381, %dma_wait3A_382] : memref<250x40xi32, #tpu.memory_space<vmem>> -> memref<1x40xi32, #tpu.memory_space<vmem>>
    %dma_wait3A_384 = tpu.memref_squeeze %dma_wait3A_383 : memref<1x40xi32, #tpu.memory_space<vmem>> -> memref<40xi32, #tpu.memory_space<vmem>>
    %dma_wait3A_385 = arith.constant 0 : i32
    %dma_wait3A_386 = arith.constant 0 : i32
    %dma_wait3A_387 = tpu.memref_slice %arg14[%dma_wait3A_385, %dma_wait3A_386] : memref<10112x128xf32, #tpu.memory_space<vmem_shared>> -> memref<10112x128xf32, #tpu.memory_space<vmem_shared>>
    tpu.wait_indirect_dma semaphore(%arg20 : memref<!tpu.dma_semaphore, #tpu.memory_space<semaphore_mem>>) src(%arg11 : memref<40x128xf32, #tpu.memory_space<vmem>>) dst(%dma_wait3A_387 : memref<10112x128xf32, #tpu.memory_space<vmem_shared>>)
    %dma_wait3A_388 = arith.constant 0 : i32
    %dma_wait3A_389 = arith.constant 0 : i32
    %dma_wait3A_390 = tpu.memref_slice %arg9[%dma_wait3A_388, %dma_wait3A_389] : memref<250x40xi32, #tpu.memory_space<vmem>> -> memref<1x40xi32, #tpu.memory_space<vmem>>
    %dma_wait3A_391 = tpu.memref_squeeze %dma_wait3A_390 : memref<1x40xi32, #tpu.memory_space<vmem>> -> memref<40xi32, #tpu.memory_space<vmem>>
    %dma_wait3A_392 = arith.constant 0 : i32
    %dma_wait3A_393 = arith.constant 0 : i32
    %dma_wait3A_394 = tpu.memref_slice %arg15[%dma_wait3A_392, %dma_wait3A_393] : memref<10112x16xf32, #tpu.memory_space<vmem_shared>> -> memref<10112x16xf32, #tpu.memory_space<vmem_shared>>
    tpu.wait_indirect_dma semaphore(%arg20 : memref<!tpu.dma_semaphore, #tpu.memory_space<semaphore_mem>>) src(%arg13 : memref<40x16xf32, #tpu.memory_space<vmem>>) dst(%dma_wait3A_394 : memref<10112x16xf32, #tpu.memory_space<vmem_shared>>)
    %dma_start3A_395 = arith.constant 248 : i32
    %dma_start3A_396 = arith.constant 0 : i32
    %dma_start3A_397 = tpu.memref_slice %arg9[%dma_start3A_395, %dma_start3A_396] : memref<250x40xi32, #tpu.memory_space<vmem>> -> memref<1x40xi32, #tpu.memory_space<vmem>>
    %dma_start3A_398 = tpu.memref_squeeze %dma_start3A_397 : memref<1x40xi32, #tpu.memory_space<vmem>> -> memref<40xi32, #tpu.memory_space<vmem>>
    %dma_start3A_399 = arith.constant 0 : i32
    %dma_start3A_400 = arith.constant 0 : i32
    %dma_start3A_401 = tpu.memref_slice %arg14[%dma_start3A_399, %dma_start3A_400] : memref<10112x128xf32, #tpu.memory_space<vmem_shared>> -> memref<10112x128xf32, #tpu.memory_space<vmem_shared>>
    tpu.enqueue_indirect_dma source(%arg12 : memref<40x128xf32, #tpu.memory_space<vmem>>) target(%dma_start3A_401 : memref<10112x128xf32, #tpu.memory_space<vmem_shared>>) offsets(%dma_start3A_398 : memref<40xi32, #tpu.memory_space<vmem>>) semaphore(%arg21 : memref<!tpu.dma_semaphore, #tpu.memory_space<semaphore_mem>>) {add = true}
    %dma_start3A_402 = arith.constant 248 : i32
    %dma_start3A_403 = arith.constant 0 : i32
    %dma_start3A_404 = tpu.memref_slice %arg9[%dma_start3A_402, %dma_start3A_403] : memref<250x40xi32, #tpu.memory_space<vmem>> -> memref<1x40xi32, #tpu.memory_space<vmem>>
    %dma_start3A_405 = tpu.memref_squeeze %dma_start3A_404 : memref<1x40xi32, #tpu.memory_space<vmem>> -> memref<40xi32, #tpu.memory_space<vmem>>
    %dma_start3A_406 = arith.constant 0 : i32
    %dma_start3A_407 = arith.constant 0 : i32
    %dma_start3A_408 = tpu.memref_slice %arg15[%dma_start3A_406, %dma_start3A_407] : memref<10112x16xf32, #tpu.memory_space<vmem_shared>> -> memref<10112x16xf32, #tpu.memory_space<vmem_shared>>
    tpu.enqueue_indirect_dma source(%arg13 : memref<40x16xf32, #tpu.memory_space<vmem>>) target(%dma_start3A_408 : memref<10112x16xf32, #tpu.memory_space<vmem_shared>>) offsets(%dma_start3A_405 : memref<40xi32, #tpu.memory_space<vmem>>) semaphore(%arg21 : memref<!tpu.dma_semaphore, #tpu.memory_space<semaphore_mem>>) {add = true}
    %dma_wait3A_409 = arith.constant 0 : i32
    %dma_wait3A_410 = arith.constant 0 : i32
    %dma_wait3A_411 = tpu.memref_slice %arg8[%dma_wait3A_409, %dma_wait3A_410] : memref<250x40xi32, #tpu.memory_space<vmem>> -> memref<1x40xi32, #tpu.memory_space<vmem>>
    %dma_wait3A_412 = tpu.memref_squeeze %dma_wait3A_411 : memref<1x40xi32, #tpu.memory_space<vmem>> -> memref<40xi32, #tpu.memory_space<vmem>>
    %dma_wait3A_413 = arith.constant 0 : i32
    %dma_wait3A_414 = arith.constant 0 : i32
    %dma_wait3A_415 = tpu.memref_slice %arg2[%dma_wait3A_413, %dma_wait3A_414] : memref<10000x128xf32, #tpu.memory_space<hbm>> -> memref<10000x128xf32, #tpu.memory_space<hbm>>
    tpu.wait_indirect_dma semaphore(%arg16 : memref<!tpu.dma_semaphore, #tpu.memory_space<semaphore_mem>>) src(%dma_wait3A_415 : memref<10000x128xf32, #tpu.memory_space<hbm>>) dst(%arg10 : memref<40x128xf32, #tpu.memory_space<vmem>>)
    %dma_wait3A_416 = arith.constant 0 : i32
    %dma_wait3A_417 = arith.constant 0 : i32
    %dma_wait3A_418 = tpu.memref_slice %arg9[%dma_wait3A_416, %dma_wait3A_417] : memref<250x40xi32, #tpu.memory_space<vmem>> -> memref<1x40xi32, #tpu.memory_space<vmem>>
    %dma_wait3A_419 = tpu.memref_squeeze %dma_wait3A_418 : memref<1x40xi32, #tpu.memory_space<vmem>> -> memref<40xi32, #tpu.memory_space<vmem>>
    %dma_wait3A_420 = arith.constant 0 : i32
    %dma_wait3A_421 = arith.constant 0 : i32
    %dma_wait3A_422 = tpu.memref_slice %arg14[%dma_wait3A_420, %dma_wait3A_421] : memref<10112x128xf32, #tpu.memory_space<vmem_shared>> -> memref<10112x128xf32, #tpu.memory_space<vmem_shared>>
    tpu.wait_indirect_dma semaphore(%arg21 : memref<!tpu.dma_semaphore, #tpu.memory_space<semaphore_mem>>) src(%arg12 : memref<40x128xf32, #tpu.memory_space<vmem>>) dst(%dma_wait3A_422 : memref<10112x128xf32, #tpu.memory_space<vmem_shared>>)
    %dma_wait3A_423 = arith.constant 0 : i32
    %dma_wait3A_424 = arith.constant 0 : i32
    %dma_wait3A_425 = tpu.memref_slice %arg9[%dma_wait3A_423, %dma_wait3A_424] : memref<250x40xi32, #tpu.memory_space<vmem>> -> memref<1x40xi32, #tpu.memory_space<vmem>>
    %dma_wait3A_426 = tpu.memref_squeeze %dma_wait3A_425 : memref<1x40xi32, #tpu.memory_space<vmem>> -> memref<40xi32, #tpu.memory_space<vmem>>
    %dma_wait3A_427 = arith.constant 0 : i32
    %dma_wait3A_428 = arith.constant 0 : i32
    %dma_wait3A_429 = tpu.memref_slice %arg15[%dma_wait3A_427, %dma_wait3A_428] : memref<10112x16xf32, #tpu.memory_space<vmem_shared>> -> memref<10112x16xf32, #tpu.memory_space<vmem_shared>>
    tpu.wait_indirect_dma semaphore(%arg21 : memref<!tpu.dma_semaphore, #tpu.memory_space<semaphore_mem>>) src(%arg13 : memref<40x16xf32, #tpu.memory_space<vmem>>) dst(%dma_wait3A_429 : memref<10112x16xf32, #tpu.memory_space<vmem_shared>>)
    %dma_start3A_430 = arith.constant 249 : i32
    %dma_start3A_431 = arith.constant 0 : i32
    %dma_start3A_432 = tpu.memref_slice %arg9[%dma_start3A_430, %dma_start3A_431] : memref<250x40xi32, #tpu.memory_space<vmem>> -> memref<1x40xi32, #tpu.memory_space<vmem>>
    %dma_start3A_433 = tpu.memref_squeeze %dma_start3A_432 : memref<1x40xi32, #tpu.memory_space<vmem>> -> memref<40xi32, #tpu.memory_space<vmem>>
    %dma_start3A_434 = arith.constant 0 : i32
    %dma_start3A_435 = arith.constant 0 : i32
    %dma_start3A_436 = tpu.memref_slice %arg14[%dma_start3A_434, %dma_start3A_435] : memref<10112x128xf32, #tpu.memory_space<vmem_shared>> -> memref<10112x128xf32, #tpu.memory_space<vmem_shared>>
    tpu.enqueue_indirect_dma source(%arg10 : memref<40x128xf32, #tpu.memory_space<vmem>>) target(%dma_start3A_436 : memref<10112x128xf32, #tpu.memory_space<vmem_shared>>) offsets(%dma_start3A_433 : memref<40xi32, #tpu.memory_space<vmem>>) semaphore(%arg19 : memref<!tpu.dma_semaphore, #tpu.memory_space<semaphore_mem>>) {add = true}
    %dma_start3A_437 = arith.constant 249 : i32
    %dma_start3A_438 = arith.constant 0 : i32
    %dma_start3A_439 = tpu.memref_slice %arg9[%dma_start3A_437, %dma_start3A_438] : memref<250x40xi32, #tpu.memory_space<vmem>> -> memref<1x40xi32, #tpu.memory_space<vmem>>
    %dma_start3A_440 = tpu.memref_squeeze %dma_start3A_439 : memref<1x40xi32, #tpu.memory_space<vmem>> -> memref<40xi32, #tpu.memory_space<vmem>>
    %dma_start3A_441 = arith.constant 0 : i32
    %dma_start3A_442 = arith.constant 0 : i32
    %dma_start3A_443 = tpu.memref_slice %arg15[%dma_start3A_441, %dma_start3A_442] : memref<10112x16xf32, #tpu.memory_space<vmem_shared>> -> memref<10112x16xf32, #tpu.memory_space<vmem_shared>>
    tpu.enqueue_indirect_dma source(%arg13 : memref<40x16xf32, #tpu.memory_space<vmem>>) target(%dma_start3A_443 : memref<10112x16xf32, #tpu.memory_space<vmem_shared>>) offsets(%dma_start3A_440 : memref<40xi32, #tpu.memory_space<vmem>>) semaphore(%arg19 : memref<!tpu.dma_semaphore, #tpu.memory_space<semaphore_mem>>) {add = true}
    %dma_wait3A_444 = arith.constant 0 : i32
    %dma_wait3A_445 = arith.constant 0 : i32
    %dma_wait3A_446 = tpu.memref_slice %arg9[%dma_wait3A_444, %dma_wait3A_445] : memref<250x40xi32, #tpu.memory_space<vmem>> -> memref<1x40xi32, #tpu.memory_space<vmem>>
    %dma_wait3A_447 = tpu.memref_squeeze %dma_wait3A_446 : memref<1x40xi32, #tpu.memory_space<vmem>> -> memref<40xi32, #tpu.memory_space<vmem>>
    %dma_wait3A_448 = arith.constant 0 : i32
    %dma_wait3A_449 = arith.constant 0 : i32
    %dma_wait3A_450 = tpu.memref_slice %arg14[%dma_wait3A_448, %dma_wait3A_449] : memref<10112x128xf32, #tpu.memory_space<vmem_shared>> -> memref<10112x128xf32, #tpu.memory_space<vmem_shared>>
    tpu.wait_indirect_dma semaphore(%arg19 : memref<!tpu.dma_semaphore, #tpu.memory_space<semaphore_mem>>) src(%arg10 : memref<40x128xf32, #tpu.memory_space<vmem>>) dst(%dma_wait3A_450 : memref<10112x128xf32, #tpu.memory_space<vmem_shared>>)
    %dma_wait3A_451 = arith.constant 0 : i32
    %dma_wait3A_452 = arith.constant 0 : i32
    %dma_wait3A_453 = tpu.memref_slice %arg9[%dma_wait3A_451, %dma_wait3A_452] : memref<250x40xi32, #tpu.memory_space<vmem>> -> memref<1x40xi32, #tpu.memory_space<vmem>>
    %dma_wait3A_454 = tpu.memref_squeeze %dma_wait3A_453 : memref<1x40xi32, #tpu.memory_space<vmem>> -> memref<40xi32, #tpu.memory_space<vmem>>
    %dma_wait3A_455 = arith.constant 0 : i32
    %dma_wait3A_456 = arith.constant 0 : i32
    %dma_wait3A_457 = tpu.memref_slice %arg15[%dma_wait3A_455, %dma_wait3A_456] : memref<10112x16xf32, #tpu.memory_space<vmem_shared>> -> memref<10112x16xf32, #tpu.memory_space<vmem_shared>>
    tpu.wait_indirect_dma semaphore(%arg19 : memref<!tpu.dma_semaphore, #tpu.memory_space<semaphore_mem>>) src(%arg13 : memref<40x16xf32, #tpu.memory_space<vmem>>) dst(%dma_wait3A_457 : memref<10112x16xf32, #tpu.memory_space<vmem_shared>>)
    %barrier3A_458 = arith.constant 0 : index
    tpu.barrier barrier_id(%barrier3A_458)
    "tpu.trace_stop"() : () -> ()
    "tpu.trace_start"() <{level = 10 : i32, message = "dump"}> : () -> ()
    "tpu.region"() ({
      %run_scoped3A = tpu.sem_alloc : memref<!tpu.dma_semaphore, #tpu.memory_space<semaphore_mem>>
      %dma_start3A_459 = arith.constant 0 : i32
      %dma_start3A_460 = tpu.memref_slice %arg6[%arg0, %mul3A_2, %dma_start3A_459] : memref<2x10112x128xf32, #tpu.memory_space<hbm>> -> memref<1x632x128xf32, #tpu.memory_space<hbm>>
      %dma_start3A_461 = tpu.memref_squeeze %dma_start3A_460 : memref<1x632x128xf32, #tpu.memory_space<hbm>> -> memref<632x128xf32, #tpu.memory_space<hbm>>
      %dma_start3A_462 = arith.constant 0 : i32
      %dma_start3A_463 = tpu.memref_slice %arg14[%mul3A_2, %dma_start3A_462] : memref<10112x128xf32, #tpu.memory_space<vmem_shared>> -> memref<632x128xf32, #tpu.memory_space<vmem_shared>>
      tpu.enqueue_dma source(%dma_start3A_463 : memref<632x128xf32, #tpu.memory_space<vmem_shared>>) target(%dma_start3A_461 : memref<632x128xf32, #tpu.memory_space<hbm>>) target_semaphore(%run_scoped3A : memref<!tpu.dma_semaphore, #tpu.memory_space<semaphore_mem>>)
      %dma_wait3A_464 = arith.constant 0 : i32
      %dma_wait3A_465 = tpu.memref_slice %arg6[%arg0, %mul3A_2, %dma_wait3A_464] : memref<2x10112x128xf32, #tpu.memory_space<hbm>> -> memref<1x632x128xf32, #tpu.memory_space<hbm>>
      %dma_wait3A_466 = tpu.memref_squeeze %dma_wait3A_465 : memref<1x632x128xf32, #tpu.memory_space<hbm>> -> memref<632x128xf32, #tpu.memory_space<hbm>>
      %dma_wait3A_467 = arith.constant 0 : i32
      %dma_wait3A_468 = tpu.memref_slice %arg14[%mul3A_2, %dma_wait3A_467] : memref<10112x128xf32, #tpu.memory_space<vmem_shared>> -> memref<632x128xf32, #tpu.memory_space<vmem_shared>>
      tpu.wait_dma2 semaphore(%run_scoped3A : memref<!tpu.dma_semaphore, #tpu.memory_space<semaphore_mem>>) src(%dma_wait3A_468 : memref<632x128xf32, #tpu.memory_space<vmem_shared>>) dst(%dma_wait3A_466 : memref<632x128xf32, #tpu.memory_space<hbm>>)
      tpu.yield
    }) : () -> ()
    "tpu.region"() ({
      %run_scoped3A = tpu.sem_alloc : memref<!tpu.dma_semaphore, #tpu.memory_space<semaphore_mem>>
      %dma_start3A_459 = arith.constant 0 : i32
      %dma_start3A_460 = tpu.memref_slice %arg7[%arg0, %mul3A_2, %dma_start3A_459] : memref<2x10112x16xf32, #tpu.memory_space<hbm>> -> memref<1x632x16xf32, #tpu.memory_space<hbm>>
      %dma_start3A_461 = tpu.memref_squeeze %dma_start3A_460 : memref<1x632x16xf32, #tpu.memory_space<hbm>> -> memref<632x16xf32, #tpu.memory_space<hbm>>
      %dma_start3A_462 = arith.constant 0 : i32
      %dma_start3A_463 = tpu.memref_slice %arg15[%mul3A_2, %dma_start3A_462] : memref<10112x16xf32, #tpu.memory_space<vmem_shared>> -> memref<632x16xf32, #tpu.memory_space<vmem_shared>>
      tpu.enqueue_dma source(%dma_start3A_463 : memref<632x16xf32, #tpu.memory_space<vmem_shared>>) target(%dma_start3A_461 : memref<632x16xf32, #tpu.memory_space<hbm>>) target_semaphore(%run_scoped3A : memref<!tpu.dma_semaphore, #tpu.memory_space<semaphore_mem>>)
      %dma_wait3A_464 = arith.constant 0 : i32
      %dma_wait3A_465 = tpu.memref_slice %arg7[%arg0, %mul3A_2, %dma_wait3A_464] : memref<2x10112x16xf32, #tpu.memory_space<hbm>> -> memref<1x632x16xf32, #tpu.memory_space<hbm>>
      %dma_wait3A_466 = tpu.memref_squeeze %dma_wait3A_465 : memref<1x632x16xf32, #tpu.memory_space<hbm>> -> memref<632x16xf32, #tpu.memory_space<hbm>>
      %dma_wait3A_467 = arith.constant 0 : i32
      %dma_wait3A_468 = tpu.memref_slice %arg15[%mul3A_2, %dma_wait3A_467] : memref<10112x16xf32, #tpu.memory_space<vmem_shared>> -> memref<632x16xf32, #tpu.memory_space<vmem_shared>>
      tpu.wait_dma2 semaphore(%run_scoped3A : memref<!tpu.dma_semaphore, #tpu.memory_space<semaphore_mem>>) src(%dma_wait3A_468 : memref<632x16xf32, #tpu.memory_space<vmem_shared>>) dst(%dma_wait3A_466 : memref<632x16xf32, #tpu.memory_space<hbm>>)
      tpu.yield
    }) : () -> ()
    "tpu.trace_stop"() : () -> ()
    return
  }
}

module attributes {stable_mosaic.version = 14 : i64} {
  func.func @body(%arg0: i32, %arg1: memref<1000x128xf32, #tpu.memory_space<vmem>>, %arg2: memref<2x1000x128xf32, #tpu.memory_space<vmem>>, %arg3: memref<2x1000x16xf32, #tpu.memory_space<vmem>>, %arg4: memref<128x128xf32, #tpu.memory_space<vmem>>, %arg5: memref<128x128xf32, #tpu.memory_space<vmem>>, %arg6: memref<1x128xf32, #tpu.memory_space<vmem>>, %arg7: memref<1x128xf32, #tpu.memory_space<vmem>>, %arg8: memref<1x128xf32, #tpu.memory_space<vmem>>, %arg9: memref<1000x128xf32, #tpu.memory_space<vmem>>) attributes {dimension_semantics = [#tpu.dimension_semantics<arbitrary>], iteration_bounds = array<i64: 10>, scalar_prefetch = 0 : i64, scratch_operands = 0 : i64, tpu.core_type = #tpu.core_type<tc>, window_params = [{transform_indices = @transform_0, window_bounds = array<i64: 1000, 128>}, {transform_indices = @transform_1, window_bounds = array<i64: 2, 1000, 128>}, {transform_indices = @transform_2, window_bounds = array<i64: 2, 1000, 16>}, {pipeline_mode = #tpu.pipeline_mode<synchronous>, transform_indices = @transform_3, window_bounds = array<i64: 128, 128>}, {pipeline_mode = #tpu.pipeline_mode<synchronous>, transform_indices = @transform_4, window_bounds = array<i64: 128, 128>}, {pipeline_mode = #tpu.pipeline_mode<synchronous>, transform_indices = @transform_5, window_bounds = array<i64: 1, 128>}, {pipeline_mode = #tpu.pipeline_mode<synchronous>, transform_indices = @transform_6, window_bounds = array<i64: 1, 128>}, {pipeline_mode = #tpu.pipeline_mode<synchronous>, transform_indices = @transform_7, window_bounds = array<i64: 1, 128>}, {transform_indices = @transform_8, window_bounds = array<i64: 1000, 128>}]} {
    %get3A = arith.constant 0 : index
    %get3A_0 = arith.constant 0 : index
    %get3A_1 = arith.constant 0 : index
    %get3A_2 = vector.load %arg2[%get3A, %get3A_0, %get3A_1] : memref<2x1000x128xf32, #tpu.memory_space<vmem>>, vector<2x1000x128xf32>
    %slice3A = vector.extract_strided_slice %get3A_2 {offsets = [0, 0, 0], sizes = [1, 1000, 128], strides = [1, 1, 1]} : vector<2x1000x128xf32> to vector<1x1000x128xf32>
    %squeeze3A = vector.shape_cast %slice3A : vector<1x1000x128xf32> to vector<1000x128xf32>
    %slice3A_3 = vector.extract_strided_slice %get3A_2 {offsets = [1, 0, 0], sizes = [1, 1000, 128], strides = [1, 1, 1]} : vector<2x1000x128xf32> to vector<1x1000x128xf32>
    %squeeze3A_4 = vector.shape_cast %slice3A_3 : vector<1x1000x128xf32> to vector<1000x128xf32>
    %add3A = arith.addf %squeeze3A, %squeeze3A_4 : vector<1000x128xf32>
    %get3A_5 = arith.constant 0 : index
    %get3A_6 = arith.constant 0 : index
    %get3A_7 = arith.constant 0 : index
    %get3A_8 = vector.load %arg3[%get3A_5, %get3A_6, %get3A_7] : memref<2x1000x16xf32, #tpu.memory_space<vmem>>, vector<2x1000x16xf32>
    %slice3A_9 = vector.extract_strided_slice %get3A_8 {offsets = [0, 0, 0], sizes = [1, 1000, 1], strides = [1, 1, 1]} : vector<2x1000x16xf32> to vector<1x1000x1xf32>
    %squeeze3A_10 = vector.shape_cast %slice3A_9 : vector<1x1000x1xf32> to vector<1000xf32>
    %slice3A_11 = vector.extract_strided_slice %get3A_8 {offsets = [1, 0, 0], sizes = [1, 1000, 1], strides = [1, 1, 1]} : vector<2x1000x16xf32> to vector<1x1000x1xf32>
    %squeeze3A_12 = vector.shape_cast %slice3A_11 : vector<1x1000x1xf32> to vector<1000xf32>
    %add3A_13 = arith.addf %squeeze3A_10, %squeeze3A_12 : vector<1000xf32>
    %max3A = arith.constant 1.000000e+00 : f32
    %max3A_14 = vector.broadcast %max3A : f32 to vector<1000xf32>
    %max3A_15 = arith.maximumf %add3A_13, %max3A_14 : vector<1000xf32>
    %broadcast_in_dim3A = vector.shape_cast %max3A_15 : vector<1000xf32> to vector<1000x1xf32>
    %div3A = vector.broadcast %broadcast_in_dim3A : vector<1000x1xf32> to vector<1000x128xf32>
    %div3A_16 = arith.divf %add3A, %div3A : vector<1000x128xf32>
    %get3A_17 = arith.constant 0 : index
    %get3A_18 = arith.constant 0 : index
    %get3A_19 = vector.load %arg1[%get3A_17, %get3A_18] : memref<1000x128xf32, #tpu.memory_space<vmem>>, vector<1000x128xf32>
    %get3A_20 = arith.constant 0 : index
    %get3A_21 = arith.constant 0 : index
    %get3A_22 = vector.load %arg4[%get3A_20, %get3A_21] : memref<128x128xf32, #tpu.memory_space<vmem>>, vector<128x128xf32>
    %dot_general3A = arith.constant dense<0.000000e+00> : vector<1000x128xf32>
    %dot_general3A_23 = tpu.matmul %get3A_19, %get3A_22, %dot_general3A {dimension_numbers = #tpu.dot_dimension_numbers<[1], [1], [0], [0], [0, 0, 1, 0], [], []>, transpose_lhs_hint = false} : vector<1000x128xf32>, vector<128x128xf32>, vector<1000x128xf32> -> vector<1000x128xf32>
    %get3A_24 = arith.constant 0 : index
    %get3A_25 = arith.constant 0 : index
    %get3A_26 = vector.load %arg5[%get3A_24, %get3A_25] : memref<128x128xf32, #tpu.memory_space<vmem>>, vector<128x128xf32>
    %dot_general3A_27 = arith.constant dense<0.000000e+00> : vector<1000x128xf32>
    %dot_general3A_28 = tpu.matmul %div3A_16, %get3A_26, %dot_general3A_27 {dimension_numbers = #tpu.dot_dimension_numbers<[1], [1], [0], [0], [0, 0, 1, 0], [], []>, transpose_lhs_hint = false} : vector<1000x128xf32>, vector<128x128xf32>, vector<1000x128xf32> -> vector<1000x128xf32>
    %add3A_29 = arith.addf %dot_general3A_23, %dot_general3A_28 : vector<1000x128xf32>
    %get3A_30 = arith.constant 0 : index
    %get3A_31 = arith.constant 0 : index
    %get3A_32 = vector.load %arg6[%get3A_30, %get3A_31] : memref<1x128xf32, #tpu.memory_space<vmem>>, vector<1x128xf32>
    %add3A_33 = vector.broadcast %get3A_32 : vector<1x128xf32> to vector<1000x128xf32>
    %add3A_34 = arith.addf %add3A_29, %add3A_33 : vector<1000x128xf32>
    %max3A_35 = arith.constant 0.000000e+00 : f32
    %max3A_36 = vector.broadcast %max3A_35 : f32 to vector<1000x128xf32>
    %max3A_37 = arith.maximumf %add3A_34, %max3A_36 : vector<1000x128xf32>
    %reduce_sum3A = arith.constant dense<0.000000e+00> : vector<1000xf32>
    %reduce_sum3A_38 = vector.multi_reduction <add>, %max3A_37, %reduce_sum3A [1] : vector<1000x128xf32> to vector<1000xf32>
    %broadcast_in_dim3A_39 = vector.shape_cast %reduce_sum3A_38 : vector<1000xf32> to vector<1000x1xf32>
    %div3A_40 = arith.constant 1.280000e+02 : f32
    %div3A_41 = vector.broadcast %div3A_40 : f32 to vector<1000x1xf32>
    %div3A_42 = arith.divf %broadcast_in_dim3A_39, %div3A_41 : vector<1000x1xf32>
    %sub3A = vector.broadcast %div3A_42 : vector<1000x1xf32> to vector<1000x128xf32>
    %sub3A_43 = arith.subf %max3A_37, %sub3A : vector<1000x128xf32>
    %integer_pow3A = arith.mulf %sub3A_43, %sub3A_43 : vector<1000x128xf32>
    %reduce_sum3A_44 = arith.constant dense<0.000000e+00> : vector<1000xf32>
    %reduce_sum3A_45 = vector.multi_reduction <add>, %integer_pow3A, %reduce_sum3A_44 [1] : vector<1000x128xf32> to vector<1000xf32>
    %broadcast_in_dim3A_46 = vector.shape_cast %reduce_sum3A_45 : vector<1000xf32> to vector<1000x1xf32>
    %div3A_47 = arith.constant 1.280000e+02 : f32
    %div3A_48 = vector.broadcast %div3A_47 : f32 to vector<1000x1xf32>
    %div3A_49 = arith.divf %broadcast_in_dim3A_46, %div3A_48 : vector<1000x1xf32>
    %sub3A_50 = vector.broadcast %div3A_42 : vector<1000x1xf32> to vector<1000x128xf32>
    %sub3A_51 = arith.subf %max3A_37, %sub3A_50 : vector<1000x128xf32>
    %add3A_52 = arith.constant 9.99999974E-6 : f32
    %add3A_53 = vector.broadcast %add3A_52 : f32 to vector<1000x1xf32>
    %add3A_54 = arith.addf %div3A_49, %add3A_53 : vector<1000x1xf32>
    %rsqrt3A = math.rsqrt %add3A_54 : vector<1000x1xf32>
    %mul3A = vector.broadcast %rsqrt3A : vector<1000x1xf32> to vector<1000x128xf32>
    %mul3A_55 = arith.mulf %sub3A_51, %mul3A : vector<1000x128xf32>
    %get3A_56 = arith.constant 0 : index
    %get3A_57 = arith.constant 0 : index
    %get3A_58 = vector.load %arg7[%get3A_56, %get3A_57] : memref<1x128xf32, #tpu.memory_space<vmem>>, vector<1x128xf32>
    %mul3A_59 = vector.broadcast %get3A_58 : vector<1x128xf32> to vector<1000x128xf32>
    %mul3A_60 = arith.mulf %mul3A_55, %mul3A_59 : vector<1000x128xf32>
    %get3A_61 = arith.constant 0 : index
    %get3A_62 = arith.constant 0 : index
    %get3A_63 = vector.load %arg8[%get3A_61, %get3A_62] : memref<1x128xf32, #tpu.memory_space<vmem>>, vector<1x128xf32>
    %add3A_64 = vector.broadcast %get3A_63 : vector<1x128xf32> to vector<1000x128xf32>
    %add3A_65 = arith.addf %mul3A_60, %add3A_64 : vector<1000x128xf32>
    %swap3A = arith.constant 0 : index
    %swap3A_66 = arith.constant 0 : index
    %swap3A_67 = vector.load %arg9[%swap3A, %swap3A_66] : memref<1000x128xf32, #tpu.memory_space<vmem>>, vector<1000x128xf32>
    tpu.vector_store %arg9[%swap3A, %swap3A_66], %add3A_65 {strides = array<i32>} : memref<1000x128xf32, #tpu.memory_space<vmem>>, vector<1000x128xf32>,
    return
  }
  func.func @transform_0(%arg0: i32) -> (i32, i32) {
    %c0_i32 = arith.constant 0 : i32
    %c0_i32_0 = arith.constant 0 : i32
    return %arg0, %c0_i32 : i32, i32
  }
  func.func @transform_1(%arg0: i32) -> (i32, i32, i32) {
    %c0_i32 = arith.constant 0 : i32
    %c0_i32_0 = arith.constant 0 : i32
    %c0_i32_1 = arith.constant 0 : i32
    return %c0_i32, %arg0, %c0_i32_0 : i32, i32, i32
  }
  func.func @transform_2(%arg0: i32) -> (i32, i32, i32) {
    %c0_i32 = arith.constant 0 : i32
    %c0_i32_0 = arith.constant 0 : i32
    %c0_i32_1 = arith.constant 0 : i32
    return %c0_i32, %arg0, %c0_i32_0 : i32, i32, i32
  }
  func.func @transform_3(%arg0: i32) -> (i32, i32) {
    %c0_i32 = arith.constant 0 : i32
    %c0_i32_0 = arith.constant 0 : i32
    %c0_i32_1 = arith.constant 0 : i32
    return %c0_i32, %c0_i32_0 : i32, i32
  }
  func.func @transform_4(%arg0: i32) -> (i32, i32) {
    %c0_i32 = arith.constant 0 : i32
    %c0_i32_0 = arith.constant 0 : i32
    %c0_i32_1 = arith.constant 0 : i32
    return %c0_i32, %c0_i32_0 : i32, i32
  }
  func.func @transform_5(%arg0: i32) -> (i32, i32) {
    %c0_i32 = arith.constant 0 : i32
    %c0_i32_0 = arith.constant 0 : i32
    %c0_i32_1 = arith.constant 0 : i32
    return %c0_i32, %c0_i32_0 : i32, i32
  }
  func.func @transform_6(%arg0: i32) -> (i32, i32) {
    %c0_i32 = arith.constant 0 : i32
    %c0_i32_0 = arith.constant 0 : i32
    %c0_i32_1 = arith.constant 0 : i32
    return %c0_i32, %c0_i32_0 : i32, i32
  }
  func.func @transform_7(%arg0: i32) -> (i32, i32) {
    %c0_i32 = arith.constant 0 : i32
    %c0_i32_0 = arith.constant 0 : i32
    %c0_i32_1 = arith.constant 0 : i32
    return %c0_i32, %c0_i32_0 : i32, i32
  }
  func.func @transform_8(%arg0: i32) -> (i32, i32) {
    %c0_i32 = arith.constant 0 : i32
    %c0_i32_0 = arith.constant 0 : i32
    return %arg0, %c0_i32 : i32, i32
  }
}

</mosaic_0001>

<sc_bundles>
// kernel: kernel.4.cloned.1.call-start
scs
__scs_entry_jumppad:
0x0: {  	(pc) =	sbr.rel $0x88, $3  }
0x1: {  	(tag) =	ssettag $0x0;
	lr =	simm.s32 $0x1  }
0x2: {  	[smem:$0x3F9A] =	sst lr;
	_ =	strace $0xD0000000  }
0x3: {  	_ = 	snop  }
0x4: {  	_ = 	snop  }
0x5: {  	_ = 	snop  }
0x6: {  	_ = 	snop  }
0x7: {  	_ = 	snop  }
__scs_overlays_trampoline_lowered:
0x8: {  	[smem:$0x3FA9] =	sst s0  }
0x9: {  	[smem:$0x3FAA] =	sst s1  }
0xa: {  	[smem:$0x3FAB] =	sst s2  }
0xb: {  	[smem:$0x3FAC] =	sst s3  }
0xc: {  	[smem:$0x3FAD] =	sst s4  }
0xd: {  	[smem:$0x3FAE] =	sst s5  }
0xe: {  	[smem:$0x3FAF] =	sst s6  }
0xf: {  	[smem:$0x3FB0] =	sst s7  }
0x10: {  	[smem:$0x3FB1] =	sst s8  }
0x11: {  	[smem:$0x3FB2] =	sst s9;
	s0 =	simm.s32 @!p0 $0x0  }
0x12: {  	s1 =	sld [smem:$0x3F98];
	s0 =	simm.s32 @p0 $0x1  }
0x13: {  	[smem:$0x3FB3] =	sst s0;
	s0 =	simm.s32 @!p1 $0x0  }
0x14: {  	s2 =	sld [smem:$0x3F97];
	s0 =	simm.s32 @p1 $0x1  }
0x15: {  	[smem:$0x3FB4] =	sst s0;
	s0 =	simm.s32 @!p2 $0x0  }
0x16: {  	s3 =	sld [smem:$0x3FDB];
	s0 =	simm.s32 @p2 $0x1  }
0x17: {  	s4 =	simm.s32 $0x1BF5;
	[smem:$0x3FB6] =	sst s0  }
0x18: {  	s0 =	sld [smem:$0x3F99];
	_ =	swait.ge [sflag:s4], $0x0  }
0x19: {  	s7 =	sld [smem:$0x3F9A]  }
0x1a: {  	s8 =	sadd.s32 $0xFFFFE003, lr  }
0x1b: {  	s9 =	sadd.s32 $0xFFFFFEF7, lr;
	s5 =	simm.s32 $0xFFFFFFFF;
	p2 =	slt.u32 s8, $0xFFFFF086  }
0x1c: {  	p1 =	slt.u32 s9, $0xF7A;
	s5 =	simm.s32 @!p2 $0x0  }
0x1d: {  	s5 =	simm.s32 @p1 $0x1;
	p0 =	seq.s32 s7, s2  }
0x1e: {  	s7 =	smul.u32 @!p0 $0xF7A, s2;
	p2 =	seq.s32 @!p0 s5, $0x0  }
0x1f: {  	s9 =	smul.u32 $0xF7A, s1;
	s8 =	simm.s32 @!p0 $0x1BF5;
	p2 =	por !p2, p0  }
0x20: {  	[sflag:s8] =	ssyncset.s32 @!p0 $0xFFFFF086;
	s6 =	sadd.s32 @!p0 s3, s7;
	s7 =	simm.s32 @!p0 $0x108  }
0x21: {  	s3 =	sadd.s32 s3, s9;
	s6 =	sadd.s32 @!p0 $0x88, s6;
	s7 =	simm.s32 @p2 $0x1082  }
0x22: {  	[simem:s7], [sflag:s8] =	dma.local @!p0 [hbm:s6], $0xF7A  }
0x23: {  	s9 =	sor.u32 $0xD0000000, s2;
	s6 =	simm.s32 $0x108;
	_ =	swait.ge @!p0 [sflag:s8], $0x0  }
0x24: {  	s3 =	sadd.s32 $0x88, s3;
	s6 =	simm.s32 @!p1 $0x1082;
	[sflag:s4] =	ssyncset.s32 $0xFFFFF086  }
0x25: {  	[simem:s6], [sflag:s4] =	dma.local [hbm:s3], $0xF7A  }
0x26: {  	[smem:$0x3F9A] =	sst s1;
	(tag) =	ssettag s2;
	_ =	strace s9  }
0x27: {  	s1 =	sld [smem:$0x3FAA]  }
0x28: {  	s2 =	sld [smem:$0x3FAB]  }
0x29: {  	s4 =	sld [smem:$0x3FAD]  }
0x2a: {  	p0 =	seq.s32 s5, $0x0;
	s5 =	sld [smem:$0x3FAE]  }
0x2b: {  	s6 =	sld [smem:$0x3FAF]  }
0x2c: {  	s7 =	sld [smem:$0x3FB0]  }
0x2d: {  	s3 =	simm.s32 $0x108;
	s8 =	sld [smem:$0x3FB1]  }
0x2e: {  	s3 =	simm.s32 @!p0 $0x1082;
	s9 =	sld [smem:$0x3FB2]  }
0x2f: {  	lr =	sadd.s32 s0, s3;
	s0 =	sld [smem:$0x3FA9]  }
0x30: {  	s3 =	sld [smem:$0x3FAC]  }
0x31: {  	[smem:$0x3FB5] =	sst s10  }
0x32: {  	s10 =	sld [smem:$0x3FB3];
	_ =	sdelay $0x3  }
0x33: {  	p0 =	seq.s32 s10, $0x1;
	s10 =	sld [smem:$0x3FB5];
	_ =	sdelay $0x3  }
0x34: {  	[smem:$0x3FB5] =	sst s10  }
0x35: {  	s10 =	sld [smem:$0x3FB4];
	_ =	sdelay $0x3  }
0x36: {  	p1 =	seq.s32 s10, $0x1;
	s10 =	sld [smem:$0x3FB5];
	_ =	sdelay $0x3  }
0x37: {  	[smem:$0x3FB5] =	sst s10  }
0x38: {  	s10 =	sld [smem:$0x3FB6]  }
0x39: {  	_ = 	snop;
	(pc) =	sbr.ind lr, $3  }
0x3a: {  	_ = 	snop  }
0x3b: {  	_ = 	snop  }
0x3c: {  	p2 =	seq.s32 s10, $0x1;
	s10 =	sld [smem:$0x3FB5]  }
0x3d: {  	_ =	shalt  }
0x3e: {  	_ =	shalt  }
0x3f: {  	_ =	shalt  }
0x40: {  	_ =	shalt  }
0x41: {  	_ =	shalt  }
0x42: {  	_ =	shalt  }
0x43: {  	_ =	shalt  }
0x44: {  	_ =	shalt  }
0x45: {  	_ =	shalt  }
0x46: {  	_ =	shalt  }
0x47: {  	_ =	shalt  }
0x48: {  	_ =	shalt  }
0x49: {  	_ =	shalt  }
0x4a: {  	_ =	shalt  }
0x4b: {  	_ =	shalt  }
0x4c: {  	_ =	shalt  }
0x4d: {  	_ =	shalt  }
0x4e: {  	_ =	shalt  }
0x4f: {  	_ =	shalt  }
0x50: {  	_ =	shalt  }
0x51: {  	_ =	shalt  }
0x52: {  	_ =	shalt  }
0x53: {  	_ =	shalt  }
0x54: {  	_ =	shalt  }
0x55: {  	_ =	shalt  }
0x56: {  	_ =	shalt  }
0x57: {  	_ =	shalt  }
0x58: {  	_ =	shalt  }
0x59: {  	_ =	shalt  }
0x5a: {  	_ =	shalt  }
0x5b: {  	_ =	shalt  }
0x5c: {  	_ =	shalt  }
0x5d: {  	_ =	shalt  }
0x5e: {  	_ =	shalt  }
0x5f: {  	_ =	shalt  }
0x60: {  	_ =	shalt  }
0x61: {  	_ =	shalt  }
0x62: {  	_ =	shalt  }
0x63: {  	_ =	shalt  }
0x64: {  	_ =	shalt  }
0x65: {  	_ =	shalt  }
0x66: {  	_ =	shalt  }
0x67: {  	_ =	shalt  }
0x68: {  	_ =	shalt  }
0x69: {  	_ =	shalt  }
0x6a: {  	_ =	shalt  }
0x6b: {  	_ =	shalt  }
0x6c: {  	_ =	shalt  }
0x6d: {  	_ =	shalt  }
0x6e: {  	_ =	shalt  }
0x6f: {  	_ =	shalt  }
0x70: {  	_ =	shalt  }
0x71: {  	_ =	shalt  }
0x72: {  	_ =	shalt  }
0x73: {  	_ =	shalt  }
0x74: {  	_ =	shalt  }
0x75: {  	_ =	shalt  }
0x76: {  	_ =	shalt  }
0x77: {  	_ =	shalt  }
0x78: {  	_ =	shalt  }
0x79: {  	_ =	shalt  }
0x7a: {  	_ =	shalt  }
0x7b: {  	_ =	shalt  }
0x7c: {  	_ =	shalt  }
0x7d: {  	_ =	shalt  }
0x7e: {  	_ =	shalt  }
0x7f: {  	_ =	shalt  }
0x80: {  	_ =	shalt  }
0x81: {  	_ =	shalt  }
0x82: {  	_ =	shalt  }
0x83: {  	_ =	shalt  }
0x84: {  	_ =	shalt  }
0x85: {  	_ =	shalt  }
0x86: {  	_ =	shalt  }
0x87: {  	_ =	shalt  }
.Lfunc_end0:
.L_simem_size_0:
called_computation_lowered:
.L_overlay_start_0:
0x88: {  	s2 =	sld [smem:$0x3FD9]  }
0x89: {  	s3 =	sld [smem:$0x3FFE];
	_ =	sdelay $0x1  }
0x8a: {  	s1 =	srdreg.scid  }
0x8b: {  	s0 =	sand.u32 $0x1, s1  }
0x8c: {  	s17 =	sshll.u32 s0, $0xA;
	s2 =	sadd.s32 s3, s2  }
0x8d: {  	s2 =	sadd.s32 s2, s17  }
0x8e: {  	[smem:$0x3FC1] =	sst s2  }
0x8f: {  	_ = 	snop  }
0x90: {  	s2 =	sld [smem:$0x3FC9]  }
0x91: {  	s18 =	sld [smem:$0x3FD0];
	(tm) =	ssettm $0x1  }
0x92: {  	s4 =	sld [smem:$0x3FFB];
	_ =	sdelay $0x3  }
0x93: {  	_ =	strace s4  }
0x94: {  	s4 =	sld [smem:$0x3FFC];
	_ =	sdelay $0x3  }
0x95: {  	_ =	strace s4  }
0x96: {  	s4 =	sld [smem:$0x3FFD];
	_ =	sdelay $0x3  }
0x97: {  	_ =	strace s4  }
0x98: {  	_ =	strace $0x8FFFFFFF  }
0x99: {  	s19 =	sld [smem:$0x3FDB];
	_ =	sdelay $0x1  }
0x9a: {  	s5 =	simm.s32 $_scs_section_size  }
0x9b: {  	s6 =	simm.s32 $_size__tile_overlayer_lowered;
	s7 =	simm.s32 $_tile_overlayer_lowered  }
0x9c: {  	s22 =	simm.s32 $0x1BFF;
	s21 =	sshll.u32 s7, $0x1;
	s4 =	sadd.s32 s5, s19  }
0x9d: {  	s8 =	simm.s32 $0x0;
	s20 =	sshll.u32 s6, $0x1;
	s6 =	sadd.s32 s21, s4  }
0x9e: {  	[timem:s8], [sflag:s22] =	dma.local [hbm:s6], s20  }
0x9f: {  	_ =	swait.ge [sflag:s22], s20  }
0xa0: {  	s5 =	ssub.s32 $0x0, s20;
	[sflag:s22] =	ssyncset.done $0x0  }
0xa1: {  	[sflag:s22] =	ssyncadd.s32 s5;
	_ =	sdelay $0x1  }
0xa2: {  	s23 =	simm.s32 $0x1B8B  }
0xa3: {  	_ =	swait.ge [sflag:s23], $0x1  }
0xa4: {  	[sflag:s23] =	ssyncset.done $0x0  }
0xa5: {  	s25 =	simm.s32 $0x1B8E;
	s24 =	sld [smem:$0x3FFE];
	[sflag:s23] =	ssyncadd.s32 $0xFFFFFFFF  }
0xa6: {  	s26 =	simm.s32 $execute0_lowered;
	[smem:$0x3FD2] =	sst s25  }
0xa7: {  	s6 =	sshll.u32 s26, $0x1;
	_ =	strace $0x80000046;
	[dreg:$0x1] =	wrdreg $0xFFFFFFFF  }
0xa8: {  	s28 =	simm.s32 $_size_execute0_lowered;
	s4 =	sadd.s32 s4, s6;
	[dreg:$0x0] =	wrdreg $0x0  }
0xa9: {  	s6 =	sshll.u32 s28, $0x1;
	[dreg:$0x2] =	wrdreg s4  }
0xaa: {  	[dreg:$0x3] =	wrdreg s6  }
0xab: {  	[dreg:$0x4] =	wrdreg $0xC0  }
0xac: {  	_ =	task [dreg:s8], $0x5FFFF  }
0xad: {  	[dreg:$0x1] =	wrdreg $0xFFFFFFFF  }
0xae: {  	[dreg:$0x0] =	wrdreg $0x60  }
0xaf: {  	[dreg:$0x2] =	wrdreg s2  }
0xb0: {  	[dreg:$0x3] =	wrdreg s18  }
0xb1: {  	[dreg:$0x4] =	wrdreg s24  }
0xb2: {  	[dreg:$0x5] =	wrdreg $0x8CA00  }
0xb3: {  	[dreg:$0x6] =	wrdreg $0x1C8A00  }
0xb4: {  	[dreg:$0x7] =	wrdreg $0x9  }
0xb5: {  	_ =	task.clear_ibuf [dreg:s8], $0x8FFFF;
	_ =	strace $0x90000046  }
0xb6: {  	s29 =	simm.s32 $0x9;
	_ =	strace $0x8000004B  }
0xb7: {  	_ =	swait.ge [sflag:s29], $0x1  }
0xb8: {  	[sflag:s29] =	ssyncadd.s32 $0xFFFFFFFF  }
0xb9: {  	_ =	strace $0x9000004B  }
0xba: {  	_ =	sfence  }
0xbb: {  	s30 =	sld [smem:$0x0];
	_ =	sdelay $0x2  }
0xbc: {  	s31 =	sshll.u32 s1, $0xD;
	s1 =	sshrl.u32 s1, $0x2  }
0xbd: {  	s3 =	sand.u32 $0x4000, s31;
	s1 =	sadd.s32 s1, s30  }
0xbe: {  	s0 =	sor.u32 s3, s0;
	s1 =	sshll.u32 s1, $0x11  }
0xbf: {  	s0 =	sor.u32 s1, s0  }
0xc0: {  	s0 =	sadd.s32 $0x8F2B, s0  }
0xc1: {  	[sflag:s0] =	ssyncadd.remote.s32 $0x1  }
0xc2: {  	_ =	sfence.sel $0xFFFF  }
0xc3: {  	[dreg:$0x0] =	wrdreg $0xFFFFFFFF;
	(pc) =	sbr.abs _section_cstart, $3  }
0xc4: {  	[dreg:$0x1] =	wrdreg $0xFFFFFFFF  }
0xc5: {  	_ =	task.clear_ibuf [dreg:s8], $0x2FFFF;
	_ =	strace $0x9FFFFFFF  }
0xc6: {  	(tm) =	ssettm $0x7FFFFFFF  }
0xc7: {  	_ =	shalt  }
tec
execute0_lowered:
.L_overlay_start_1:
0x0: {  	(tag) =	ssettag $0x1  }
0x1: {  	s0 =	rddreg [dreg:$0x0]  }
0x2: {  	s1 =	rddreg [dreg:$0x1]  }
0x3: {  	s2 =	rddreg [dreg:$0x2]  }
0x4: {  	s3 =	rddreg [dreg:$0x3]  }
0x5: {  	s5 =	srdreg.scid;
	s14 =	stileid.u32  }
0x6: {  	s4 =	rddreg [dreg:$0x4];
	s29 =	simm.s32 $0x7620;
	s30 =	simm.s32 $0x2  }
0x7: {  	s31 =	simm.s32 $0x3;
	s28 =	simm.s32 $0x4DD0;
	s7 =	smul.u32 $0x13C00, s14  }
0x8: {  	s6 =	sand.u32 $0x1, s5;
	s5 =	simm.s32 $0x0;
	s9 =	smul.u32 $0x2780, s14  }
0x9: {  	s10 =	sshll.u32 s14, $0x1;
	s12 =	sadd.s32 $0x2200, s2;
	s8 =	smul.u32 $0x13C000, s6  }
0xa: {  	s17 =	sadd.s32 $0x1C00, s2;
	[smem:$0x7FF] =	sst s5;
	s11 =	smul.u32 $0x27800, s6  }
0xb: {  	s10 =	sor.u32 s6, s10;
	_ =	strace $0x80000047;
	[dreg:$0x6] =	wrdreg s12  }
0xc: {  	s6 =	ssub.s32 $0x2, s6;
	s10 =	smul.u32 $0x2710, s10;
	[dreg:$0x7] =	wrdreg s17  }
0xd: {  	s13 =	sshrl.u32 s6, $0x1;
	s23 =	sadd.s32 s7, s3;
	s24 =	sadd.s32 s9, s4  }
0xe: {  	s8 =	sadd.s32 s7, s8;
	s19 =	sadd.s32 s9, s11;
	s21 =	ssub.s32 s6, s13  }
0xf: {  	s13 =	sshll.u32 s14, $0x6;
	s14 =	simm.s32 $0x2710;
	s16 =	sshrl.u32 s23, $0x3  }
0x10: {  	s23 =	simm.s32 $0x4;
	s6 =	simm.s32 $0x4DF8;
	s7 =	simm.s32 $0x8  }
0x11: {  	s9 =	simm.s32 $0x0;
	s8 =	sshrl.u32 s8, $0x3;
	s10 =	sshrl.u32 s10, $0x3  }
0x12: {  	s11 =	sshrl.u32 s19, $0x3;
	s26 =	smax.u32 s21, $0x1;
	s15 =	sor.u32 $0x1C04, s13  }
0x13: {  	s17 =	sor.u32 $0x1C05, s13;
	s19 =	simm.s32 $0x7;
	s21 =	simm.s32 $0x4E20  }
0x14: {  	s18 =	sadd.s32 s8, s2;
	s8 =	sadd.s32 s1, s10;
	s20 =	sadd.s32 s11, s2  }
0x15: {  	[dreg:$0xb] =	wrdreg s26;
	s26 =	simm.s32 $0x8A20;
	s22 =	sadd.s32 $0x9C40, s8  }
0x16: {  	s2 =	simm.s32 $0x6;
	s25 =	sadd.s32 $0xE800, s18;
	[dreg:$0x8] =	wrdreg s22  }
0x17: {  	s1 =	sadd.s32 $0x4A00, s20;
	s18 =	sshrl.u32 s24, $0x3;
	[dreg:$0x9] =	wrdreg s25  }
0x18: {  	s20 =	simm.s32 $0x28;
	s24 =	simm.s32 $0x5;
	[dreg:$0xa] =	wrdreg s1  }
0x19: {  	v0 =	vimm.f32 $1.000000000e+00;
	s22 =	simm.s32 $0x6220;
	s25 =	simm.s32 $0x1;
	s1 =	simm.s32 $0x4DA8  }
.LBB2_1:
0x1a: {  	_ =	strace $0x80000048  }
0x1b: {  	[tilespmem:s5], [sflag:$0x7] =	stream.linear.gather [hbm4b:s8+s5], $0x2710, $0x200038;
	[tilespmem:$0x1F020] =	vst v63  }
0x1c: {  	s10 =	rddreg [dreg:$0x8]  }
0x1d: {  	s12 =	rddreg [dreg:$0x6]  }
0x1e: {  	[tilespmem:s14], [sflag:$0x7] =	stream.linear.gather [hbm4b:s10+s5], $0x2710, $0x200038;
	[tilespmem:$0x1F020] =	vst v63  }
0x1f: {  	[spmem:s16], [sflag:s15] =	dma.local [hbm:s12], $0x2780  }
0x20: {  	s10 =	rddreg [dreg:$0x7]  }
0x21: {  	[spmem:s18], [sflag:s17] =	dma.local [hbm:s10], $0x4F0;
	[tilespmem:$0x8A20] =	vst v0  }
0x22: {  	[tilespmem:$0x8A30] =	vst v0  }
0x23: {  	[tilespmem:$0x8A40] =	vst v0  }
0x24: {  	[tilespmem:$0x8A50] =	vst v0  }
0x25: {  	[tilespmem:$0x8A60] =	vst v0  }
0x26: {  	[tilespmem:$0x8A70] =	vst v0  }
0x27: {  	[tilespmem:$0x8A80] =	vst v0  }
0x28: {  	[tilespmem:$0x8A90] =	vst v0  }
0x29: {  	[tilespmem:$0x8AA0] =	vst v0  }
0x2a: {  	[tilespmem:$0x8AB0] =	vst v0  }
0x2b: {  	[tilespmem:$0x8AC0] =	vst v0  }
0x2c: {  	[tilespmem:$0x8AD0] =	vst v0  }
0x2d: {  	[tilespmem:$0x8AE0] =	vst v0  }
0x2e: {  	[tilespmem:$0x8AF0] =	vst v0  }
0x2f: {  	[tilespmem:$0x8B00] =	vst v0  }
0x30: {  	[tilespmem:$0x8B10] =	vst v0  }
0x31: {  	[tilespmem:$0x8B20] =	vst v0  }
0x32: {  	[tilespmem:$0x8B30] =	vst v0  }
0x33: {  	[tilespmem:$0x8B40] =	vst v0  }
0x34: {  	[tilespmem:$0x8B50] =	vst v0  }
0x35: {  	[tilespmem:$0x8B60] =	vst v0  }
0x36: {  	[tilespmem:$0x8B70] =	vst v0  }
0x37: {  	[tilespmem:$0x8B80] =	vst v0  }
0x38: {  	[tilespmem:$0x8B90] =	vst v0  }
0x39: {  	[tilespmem:$0x8BA0] =	vst v0  }
0x3a: {  	[tilespmem:$0x8BB0] =	vst v0  }
0x3b: {  	[tilespmem:$0x8BC0] =	vst v0  }
0x3c: {  	[tilespmem:$0x8BD0] =	vst v0  }
0x3d: {  	[tilespmem:$0x8BE0] =	vst v0  }
0x3e: {  	[tilespmem:$0x8BF0] =	vst v0  }
0x3f: {  	[tilespmem:$0x8C00] =	vst v0  }
0x40: {  	[tilespmem:$0x8C10] =	vst v0  }
0x41: {  	[tilespmem:$0x8C20] =	vst v0  }
0x42: {  	[tilespmem:$0x8C30] =	vst v0  }
0x43: {  	[tilespmem:$0x8C40] =	vst v0  }
0x44: {  	[tilespmem:$0x8C50] =	vst v0  }
0x45: {  	[tilespmem:$0x8C60] =	vst v0  }
0x46: {  	[tilespmem:$0x8C70] =	vst v0  }
0x47: {  	[tilespmem:$0x8C80] =	vst v0  }
0x48: {  	[tilespmem:$0x8C90] =	vst v0  }
0x49: {  	_ =	swait.ge [sflag:s19], $0x2710  }
0x4a: {  	[sflag:s19] =	ssyncset.done $0x0  }
0x4b: {  	[sflag:s19] =	ssyncadd.s32 $0xFFFFD8F0  }
0x4c: {  	_ =	swait.ge [sflag:s19], $0x2710  }
0x4d: {  	[sflag:s19] =	ssyncset.done $0x0  }
0x4e: {  	[sflag:s19] =	ssyncadd.s32 $0xFFFFD8F0  }
0x4f: {  	_ =	strace $0x90000048  }
0x50: {  	_ =	strace $0x80000049  }
0x51: {  	[tilespmem:s21], [sflag:$0x1] =	stream.indirect.gather [hbm4b:s0+s20], $0x80, s5, s20, $0x2000b8;
	[tilespmem:$0x1F020] =	vst v63  }
0x52: {  	_ = 	snop  }
0x53: {  	[tilespmem:s22], [sflag:$0x2] =	stream.indirect.gather [hbm4b:s0+s20], $0x80, s20, s20, $0x2000b8;
	[tilespmem:$0x1F020] =	vst v63  }
0x54: {  	_ =	swait.ge [sflag:s23], $0x2780  }
0x55: {  	[sflag:s23] =	ssyncset.done $0x0  }
0x56: {  	[sflag:s23] =	ssyncadd.s32 $0xFFFFD880  }
0x57: {  	_ =	swait.ge [sflag:s24], $0x4F0  }
0x58: {  	[sflag:s24] =	ssyncset.done $0x0  }
0x59: {  	[sflag:s24] =	ssyncadd.s32 $0xFFFFFB10  }
0x5a: {  	[bflag:$0x0] =	sbarrier.arrive $0xFFFF  }
0x5b: {  	_ =	swait.ge [sflag:s25], $0x1400  }
0x5c: {  	[sflag:s25] =	ssyncset.done $0x0  }
0x5d: {  	[sflag:s25] =	ssyncadd.s32 $0xFFFFEC00  }
0x5e: {  	[spmem:s3] =	stream.indirect.scatter.add.f32 [tilespmem:s21], [sflag:$0x4], $0x80, s14, s20, $0x2000b8;
	[tilespmem:$0x1F020] =	vst v63  }
0x5f: {  	_ = 	snop  }
0x60: {  	[spmem:s4] =	stream.indirect.scatter.add.f32 [tilespmem:s26], [sflag:$0x4], $0x10, s14, s20, $0x2000b8;
	[tilespmem:$0x1F020] =	vst v63  }
0x61: {  	s11 =	simm.s32 $0x50  }
0x62: {  	[tilespmem:s29], [sflag:$0x3] =	stream.indirect.gather [hbm4b:s0+s20], $0x80, s11, s20, $0x2000b8;
	[tilespmem:$0x1F020] =	vst v63  }
0x63: {  	_ =	swait.ge [sflag:s30], $0x1400  }
0x64: {  	[sflag:s30] =	ssyncset.done $0x0  }
0x65: {  	[sflag:s30] =	ssyncadd.s32 $0xFFFFEC00  }
0x66: {  	_ =	swait.ge [sflag:s23], $0x1400  }
0x67: {  	[sflag:s23] =	ssyncset.done $0x0  }
0x68: {  	[sflag:s23] =	ssyncadd.s32 $0xFFFFEC00  }
0x69: {  	_ =	swait.ge [sflag:s23], $0x280  }
0x6a: {  	[sflag:s23] =	ssyncset.done $0x0  }
0x6b: {  	s12 =	simm.s32 $0x2738;
	[sflag:s23] =	ssyncadd.s32 $0xFFFFFD80  }
0x6c: {  	[spmem:s3] =	stream.indirect.scatter.add.f32 [tilespmem:s22], [sflag:$0x5], $0x80, s12, s20, $0x2000b8;
	[tilespmem:$0x1F020] =	vst v63  }
0x6d: {  	_ = 	snop  }
0x6e: {  	[spmem:s4] =	stream.indirect.scatter.add.f32 [tilespmem:s26], [sflag:$0x5], $0x10, s12, s20, $0x2000b8;
	[tilespmem:$0x1F020] =	vst v63  }
0x6f: {  	s11 =	simm.s32 $0x78  }
0x70: {  	[tilespmem:s21], [sflag:$0x1] =	stream.indirect.gather [hbm4b:s0+s20], $0x80, s11, s20, $0x2000b8;
	[tilespmem:$0x1F020] =	vst v63  }
0x71: {  	_ =	swait.ge [sflag:s31], $0x1400  }
0x72: {  	[sflag:s31] =	ssyncset.done $0x0  }
0x73: {  	[sflag:s31] =	ssyncadd.s32 $0xFFFFEC00  }
0x74: {  	_ =	swait.ge [sflag:s24], $0x1400  }
0x75: {  	[sflag:s24] =	ssyncset.done $0x0  }
0x76: {  	[sflag:s24] =	ssyncadd.s32 $0xFFFFEC00  }
0x77: {  	_ =	swait.ge [sflag:s24], $0x280  }
0x78: {  	[sflag:s24] =	ssyncset.done $0x0  }
0x79: {  	s12 =	simm.s32 $0x2760;
	[sflag:s24] =	ssyncadd.s32 $0xFFFFFD80  }
0x7a: {  	[spmem:s3] =	stream.indirect.scatter.add.f32 [tilespmem:s29], [sflag:$0x6], $0x80, s12, s20, $0x2000b8;
	[tilespmem:$0x1F020] =	vst v63  }
0x7b: {  	_ = 	snop  }
0x7c: {  	[spmem:s4] =	stream.indirect.scatter.add.f32 [tilespmem:s26], [sflag:$0x6], $0x10, s12, s20, $0x2000b8;
	[tilespmem:$0x1F020] =	vst v63  }
0x7d: {  	s11 =	simm.s32 $0xA0  }
0x7e: {  	[tilespmem:s22], [sflag:$0x2] =	stream.indirect.gather [hbm4b:s0+s20], $0x80, s11, s20, $0x2000b8;
	[tilespmem:$0x1F020] =	vst v63  }
0x7f: {  	_ =	swait.ge [sflag:s25], $0x1400  }
0x80: {  	[sflag:s25] =	ssyncset.done $0x0  }
0x81: {  	[sflag:s25] =	ssyncadd.s32 $0xFFFFEC00  }
0x82: {  	_ =	swait.ge [sflag:s2], $0x1400  }
0x83: {  	[sflag:s2] =	ssyncset.done $0x0  }
0x84: {  	[sflag:s2] =	ssyncadd.s32 $0xFFFFEC00  }
0x85: {  	_ =	swait.ge [sflag:s2], $0x280  }
0x86: {  	[sflag:s2] =	ssyncset.done $0x0  }
0x87: {  	s12 =	simm.s32 $0x2788;
	[sflag:s2] =	ssyncadd.s32 $0xFFFFFD80  }
0x88: {  	[spmem:s3] =	stream.indirect.scatter.add.f32 [tilespmem:s21], [sflag:$0x4], $0x80, s12, s20, $0x2000b8;
	[tilespmem:$0x1F020] =	vst v63  }
0x89: {  	s10 =	simm.s32 $0x1E0;
	s11 =	simm.s32 $0xC8  }
0x8a: {  	[spmem:s4] =	stream.indirect.scatter.add.f32 [tilespmem:s26], [sflag:$0x4], $0x10, s12, s20, $0x2000b8;
	[tilespmem:$0x1F020] =	vst v63  }
.LBB2_2:
0x8b: {  	[tilespmem:s29], [sflag:$0x3] =	stream.indirect.gather [hbm4b:s0+s20], $0x80, s11, s20, $0x2000b8;
	[tilespmem:$0x1F020] =	vst v63  }
0x8c: {  	s11 =	smov.u32 s10  }
0x8d: {  	p0 =	sne.s32 s10, $0x97E0;
	s10 =	sadd.s32 $0x1E0, s10;
	_ =	swait.ge [sflag:s30], $0x1400  }
0x8e: {  	[sflag:s30] =	ssyncset.done $0x0  }
0x8f: {  	[sflag:s30] =	ssyncadd.s32 $0xFFFFEC00  }
0x90: {  	_ =	swait.ge [sflag:s23], $0x1400  }
0x91: {  	[sflag:s23] =	ssyncset.done $0x0  }
0x92: {  	[sflag:s23] =	ssyncadd.s32 $0xFFFFEC00  }
0x93: {  	_ =	swait.ge [sflag:s23], $0x280  }
0x94: {  	s11 =	sshra.s32 s11, $0x2;
	[sflag:s23] =	ssyncset.done $0x0  }
0x95: {  	s12 =	sadd.s32 $0x2738, s11;
	[sflag:s23] =	ssyncadd.s32 $0xFFFFFD80  }
0x96: {  	[spmem:s3] =	stream.indirect.scatter.add.f32 [tilespmem:s22], [sflag:$0x5], $0x80, s12, s20, $0x2000b8;
	[tilespmem:$0x1F020] =	vst v63  }
0x97: {  	_ = 	snop  }
0x98: {  	[spmem:s4] =	stream.indirect.scatter.add.f32 [tilespmem:s26], [sflag:$0x5], $0x10, s12, s20, $0x2000b8;
	[tilespmem:$0x1F020] =	vst v63  }
0x99: {  	s12 =	sadd.s32 $0x78, s11  }
0x9a: {  	[tilespmem:s21], [sflag:$0x1] =	stream.indirect.gather [hbm4b:s0+s20], $0x80, s12, s20, $0x2000b8;
	[tilespmem:$0x1F020] =	vst v63  }
0x9b: {  	_ =	swait.ge [sflag:s31], $0x1400  }
0x9c: {  	[sflag:s31] =	ssyncset.done $0x0  }
0x9d: {  	[sflag:s31] =	ssyncadd.s32 $0xFFFFEC00  }
0x9e: {  	_ =	swait.ge [sflag:s24], $0x1400  }
0x9f: {  	[sflag:s24] =	ssyncset.done $0x0  }
0xa0: {  	[sflag:s24] =	ssyncadd.s32 $0xFFFFEC00  }
0xa1: {  	_ =	swait.ge [sflag:s24], $0x280  }
0xa2: {  	[sflag:s24] =	ssyncset.done $0x0  }
0xa3: {  	s12 =	sadd.s32 $0x2760, s11;
	[sflag:s24] =	ssyncadd.s32 $0xFFFFFD80  }
0xa4: {  	[spmem:s3] =	stream.indirect.scatter.add.f32 [tilespmem:s29], [sflag:$0x6], $0x80, s12, s20, $0x2000b8;
	[tilespmem:$0x1F020] =	vst v63  }
0xa5: {  	_ = 	snop  }
0xa6: {  	[spmem:s4] =	stream.indirect.scatter.add.f32 [tilespmem:s26], [sflag:$0x6], $0x10, s12, s20, $0x2000b8;
	[tilespmem:$0x1F020] =	vst v63  }
0xa7: {  	s12 =	sadd.s32 $0xA0, s11  }
0xa8: {  	[tilespmem:s22], [sflag:$0x2] =	stream.indirect.gather [hbm4b:s0+s20], $0x80, s12, s20, $0x2000b8;
	[tilespmem:$0x1F020] =	vst v63  }
0xa9: {  	_ =	swait.ge [sflag:s25], $0x1400  }
0xaa: {  	[sflag:s25] =	ssyncset.done $0x0  }
0xab: {  	[sflag:s25] =	ssyncadd.s32 $0xFFFFEC00  }
0xac: {  	_ =	swait.ge [sflag:s2], $0x1400  }
0xad: {  	[sflag:s2] =	ssyncset.done $0x0  }
0xae: {  	[sflag:s2] =	ssyncadd.s32 $0xFFFFEC00  }
0xaf: {  	_ =	swait.ge [sflag:s2], $0x280  }
0xb0: {  	[sflag:s2] =	ssyncset.done $0x0  }
.Ltmp0:
0xb1: {  	s12 =	sadd.s32 $0x2788, s11;
	[sflag:s2] =	ssyncadd.s32 $0xFFFFFD80;
	(pc) =	sbr.rel @p0 .LBB2_2-.Ltmp0, $4  }
0xb2: {  	[spmem:s3] =	stream.indirect.scatter.add.f32 [tilespmem:s21], [sflag:$0x4], $0x80, s12, s20, $0x2000b8;
	[tilespmem:$0x1F020] =	vst v63  }
0xb3: {  	_ = 	snop  }
0xb4: {  	[spmem:s4] =	stream.indirect.scatter.add.f32 [tilespmem:s26], [sflag:$0x4], $0x10, s12, s20, $0x2000b8;
	[tilespmem:$0x1F020] =	vst v63  }
0xb5: {  	s11 =	sadd.s32 $0xC8, s11  }
0xb6: {  	[tilespmem:s29], [sflag:$0x3] =	stream.indirect.gather [hbm4b:s0+s20], $0x80, s11, s20, $0x2000b8;
	[tilespmem:$0x1F020] =	vst v63  }
0xb7: {  	_ =	swait.ge [sflag:s30], $0x1400  }
0xb8: {  	[sflag:s30] =	ssyncset.done $0x0  }
0xb9: {  	[sflag:s30] =	ssyncadd.s32 $0xFFFFEC00  }
0xba: {  	_ =	swait.ge [sflag:s23], $0x1400  }
0xbb: {  	[sflag:s23] =	ssyncset.done $0x0  }
0xbc: {  	[sflag:s23] =	ssyncadd.s32 $0xFFFFEC00  }
0xbd: {  	_ =	swait.ge [sflag:s23], $0x280  }
0xbe: {  	[sflag:s23] =	ssyncset.done $0x0  }
0xbf: {  	[sflag:s23] =	ssyncadd.s32 $0xFFFFFD80  }
0xc0: {  	[spmem:s3] =	stream.indirect.scatter.add.f32 [tilespmem:s22], [sflag:$0x5], $0x80, s1, s20, $0x2000b8;
	[tilespmem:$0x1F020] =	vst v63  }
0xc1: {  	_ = 	snop  }
0xc2: {  	[spmem:s4] =	stream.indirect.scatter.add.f32 [tilespmem:s26], [sflag:$0x5], $0x10, s1, s20, $0x2000b8;
	[tilespmem:$0x1F020] =	vst v63  }
0xc3: {  	s10 =	simm.s32 $0x26E8  }
0xc4: {  	[tilespmem:s21], [sflag:$0x1] =	stream.indirect.gather [hbm4b:s0+s20], $0x80, s10, s20, $0x2000b8;
	[tilespmem:$0x1F020] =	vst v63  }
0xc5: {  	_ =	swait.ge [sflag:s31], $0x1400  }
0xc6: {  	[sflag:s31] =	ssyncset.done $0x0  }
0xc7: {  	[sflag:s31] =	ssyncadd.s32 $0xFFFFEC00  }
0xc8: {  	_ =	swait.ge [sflag:s24], $0x1400  }
0xc9: {  	[sflag:s24] =	ssyncset.done $0x0  }
0xca: {  	[sflag:s24] =	ssyncadd.s32 $0xFFFFEC00  }
0xcb: {  	_ =	swait.ge [sflag:s24], $0x280  }
0xcc: {  	[sflag:s24] =	ssyncset.done $0x0  }
0xcd: {  	[sflag:s24] =	ssyncadd.s32 $0xFFFFFD80  }
0xce: {  	[spmem:s3] =	stream.indirect.scatter.add.f32 [tilespmem:s29], [sflag:$0x6], $0x80, s28, s20, $0x2000b8;
	[tilespmem:$0x1F020] =	vst v63  }
0xcf: {  	_ = 	snop  }
0xd0: {  	[spmem:s4] =	stream.indirect.scatter.add.f32 [tilespmem:s26], [sflag:$0x6], $0x10, s28, s20, $0x2000b8;
	[tilespmem:$0x1F020] =	vst v63  }
0xd1: {  	_ =	swait.ge [sflag:s25], $0x1400  }
0xd2: {  	[sflag:s25] =	ssyncset.done $0x0  }
0xd3: {  	[sflag:s25] =	ssyncadd.s32 $0xFFFFEC00  }
0xd4: {  	_ =	swait.ge [sflag:s2], $0x1400  }
0xd5: {  	[sflag:s2] =	ssyncset.done $0x0  }
0xd6: {  	[sflag:s2] =	ssyncadd.s32 $0xFFFFEC00  }
0xd7: {  	_ =	swait.ge [sflag:s2], $0x280  }
0xd8: {  	[sflag:s2] =	ssyncset.done $0x0  }
0xd9: {  	[sflag:s2] =	ssyncadd.s32 $0xFFFFFD80  }
0xda: {  	[spmem:s3] =	stream.indirect.scatter.add.f32 [tilespmem:s21], [sflag:$0x4], $0x80, s6, s20, $0x2000b8;
	[tilespmem:$0x1F020] =	vst v63  }
0xdb: {  	_ = 	snop  }
0xdc: {  	[spmem:s4] =	stream.indirect.scatter.add.f32 [tilespmem:s26], [sflag:$0x4], $0x10, s6, s20, $0x2000b8;
	[tilespmem:$0x1F020] =	vst v63  }
0xdd: {  	_ =	swait.ge [sflag:s23], $0x1400  }
0xde: {  	[sflag:s23] =	ssyncset.done $0x0  }
0xdf: {  	[sflag:s23] =	ssyncadd.s32 $0xFFFFEC00  }
0xe0: {  	_ =	swait.ge [sflag:s23], $0x280  }
0xe1: {  	[sflag:s23] =	ssyncset.done $0x0  }
0xe2: {  	[sflag:s23] =	ssyncadd.s32 $0xFFFFFD80  }
0xe3: {  	[bflag:$0x0] =	sbarrier.arrive $0xFFFF  }
0xe4: {  	_ =	strace $0x90000049  }
0xe5: {  	_ =	strace $0x8000004A  }
0xe6: {  	s10 =	sor.u32 $0x1C08, s13;
	s12 =	rddreg [dreg:$0x9]  }
0xe7: {  	[hbm:s12], [sflag:s10] =	dma.local [spmem:s16], $0x2780  }
0xe8: {  	_ =	swait.ge [sflag:s7], $0x2780  }
0xe9: {  	[sflag:s7] =	ssyncset.done $0x0  }
0xea: {  	s12 =	rddreg [dreg:$0xa];
	[sflag:s7] =	ssyncadd.s32 $0xFFFFD880  }
0xeb: {  	[hbm:s12], [sflag:s10] =	dma.local [spmem:s18], $0x4F0  }
0xec: {  	_ =	swait.ge [sflag:s7], $0x4F0  }
0xed: {  	s9 =	sadd.s32 $0x1, s9;
	s12 =	rddreg [dreg:$0xb]  }
0xee: {  	p0 =	sne.s32 s9, s12  }
.Ltmp1:
0xef: {  	_ = 	snop;
	(pc) =	sbr.rel @p0 .LBB2_1-.Ltmp1, $4  }
0xf0: {  	_ = 	snop  }
0xf1: {  	[sflag:s7] =	ssyncset.done $0x0  }
0xf2: {  	[sflag:s7] =	ssyncadd.s32 $0xFFFFFB10  }
0xf3: {  	_ =	strace $0x9000004A  }
0xf4: {  	_ =	sfence.sel $0x180000  }
0xf5: {  	[bflag:$0x0] =	sbarrier.arrive $0xFFFF  }
0xf6: {  	_ =	strace $0x90000047  }
0xf7: {  	s0 =	stileid.u32;
	[bflag:$0x2] =	sbarrier.arrive $0xFFFF  }
0xf8: {  	p0 =	sne.s32 s0, $0x0;
	s0 =	rddreg [dreg:$0x5]  }
0xf9: {  	s0 =	sadd.s32 @!p0 $0x100000, s0  }
0xfa: {  	[sflag:s0] =	ssyncadd.tile.s32 @!p0 $0x1;
	_ =	shalt  }
.Lfunc_end2:
_tile_overlayer_lowered:
.L_overlay_start_2:
0xfb: {  	(tag) =	ssettag $0x2  }
0xfc: {  	s0 =	rddreg [dreg:$0x0];
	s2 =	stileid.u32  }
0xfd: {  	s1 =	rddreg [dreg:$0x1];
	p0 =	sne.s32 s2, $0x0  }
0xfe: {  	s3 =	rddreg [dreg:$0x2];
	[bflag:$0x3] =	sbarrier.arrive $0xFFFF;
	s2 =	simm.s32 @!p0 $0x1C08  }
0xff: {  	[timem:s3], [sflag:s2] =	dma.local @!p0 [hbm:s0], s1  }
0x100: {  	s0 =	simm.s32 @!p0 $0x8  }
0x101: {  	_ =	swait.ge @!p0 [sflag:s0], s1  }
0x102: {  	s1 =	ssub.s32 @!p0 $0x0, s1;
	[sflag:s0] =	ssyncset.done @!p0 $0x0  }
0x103: {  	[sflag:s0] =	ssyncadd.s32 @!p0 s1  }
0x104: {  	[bflag:$0x3] =	sbarrier.arrive $0xFFFF  }
0x105: {  	_ =	shalt  }

</sc_bundles>
